<compile_context>
chip_gen: v7x
topology: tpu7x:2x2x1
jax: 0.10.2.dev20260603
libtpu: 0.0.44.dev20260713+nightly
codegen_flags: <defaults>
</compile_context>

<pallas_src>
import functools

import jax
import jax.numpy as jnp
import numpy as np
from jax import lax
from jax.experimental import pallas as pl
from jax.experimental.pallas import tpu as pltpu
from jax.experimental.pallas import tpu_sc as plsc

CUTOFF = 5.0
EXP = 16
CW = 40
NTILES = 32


def _ssp(x):
    return jax.nn.softplus(x) - jnp.log(2.0)



def _h_body(f_ref, w_ref, o_ref):
    o_ref[...] = jnp.dot(f_ref[...], w_ref[...], preferred_element_type=jnp.float32)


def _tbw2_body(d_ref, w1_ref, w2_ref, o_ref):
    d = d_ref[0, 0, :]
    centers = lax.broadcasted_iota(jnp.int32, (1, EXP), 1).astype(jnp.float32) * (
        CUTOFF / (EXP - 1))
    gamma = (EXP / CUTOFF) ** 2
    rb = jnp.exp(-gamma * (d[:, None] - centers) ** 2)
    env = 0.5 * (1.0 + jnp.cos(np.pi * d / CUTOFF))
    mask = (d < CUTOFF).astype(jnp.float32)
    rb = rb * (env * mask)[:, None]
    hid = _ssp(jnp.dot(rb, w1_ref[...], preferred_element_type=jnp.float32))
    o_ref[...] = jnp.dot(hid, w2_ref[...], preferred_element_type=jnp.float32)


def _a3_body(T, BT, rij_ref, rik_ref, ang_ref, w_ref, tbw2_ref, o_ref):
    rij = rij_ref[0, 0, :]
    rik = rik_ref[0, 0, :]
    ca = jnp.cos(ang_ref[0, 0, :])
    w = w_ref[...]
    pre = (rij[:, None] * w[0][None, :] + rik[:, None] * w[1][None, :]
           + ca[:, None] * w[2][None, :])
    ssp = _ssp(pre)
    row = pl.program_id(0) * BT + lax.broadcasted_iota(jnp.int32, (BT, 1), 0)
    o_ref[...] = jnp.where(row < T, ssp, 0.0)


def _g_body(s_ref, h_ref, w_ref, o_ref):
    ssum = s_ref[0] + s_ref[1]
    o_ref[...] = h_ref[...] * jnp.dot(ssum, w_ref[...], preferred_element_type=jnp.float32)


def _out_body(h2b_ref, hg_ref, w_ref, o_ref):
    acc = h2b_ref[0] + h2b_ref[1] + hg_ref[0] + hg_ref[1]
    o_ref[...] = jnp.dot(acc, w_ref[...], preferred_element_type=jnp.float32)



def _sc_tri_body(N, Tp, TCW,
                 a3_hbm, tidx_hbm, z128_hbm, s_out,
                 tidx_v, a3_v0, a3_v1, s_sh,
                 lsem0, lsem1, ssem0, ssem1):
    c = lax.axis_index("c")
    s = lax.axis_index("s")
    wid = s * 2 + c
    rows_n = N // 16
    trows = (Tp // TCW) // NTILES

    pltpu.sync_copy(z128_hbm.at[pl.ds(s * rows_n, rows_n)],
                    s_sh.at[pl.ds(s * rows_n, rows_n)])
    plsc.subcore_barrier()

    pltpu.sync_copy(tidx_hbm.at[pl.ds(wid * trows, trows)], tidx_v)

    def load_start(j, buf, sem):
        pltpu.async_copy(
            a3_hbm.at[pl.ds((wid * trows + j) * TCW, TCW)], buf, sem)

    def load_wait(j, buf, sem):
        pltpu.make_async_copy(
            a3_hbm.at[pl.ds((wid * trows + j) * TCW, TCW)], buf, sem).wait()

    def scatter_start(j, buf, sem):
        pltpu.async_copy(buf, s_sh.at[tidx_v.at[j]], sem, add=True)

    def scatter_wait(j, buf, sem):
        pltpu.make_async_copy(buf, s_sh.at[tidx_v.at[j]], sem).wait()

    load_start(0, a3_v0, lsem0)
    load_start(1, a3_v1, lsem1)

    def pair(gi, carry):
        j0 = 2 * gi
        j1 = j0 + 1
        load_wait(j0, a3_v0, lsem0)
        scatter_start(j0, a3_v0, ssem0)
        load_wait(j1, a3_v1, lsem1)
        scatter_start(j1, a3_v1, ssem1)
        scatter_wait(j0, a3_v0, ssem0)

        @pl.when(j0 + 2 < trows)
        def _():
            load_start(j0 + 2, a3_v0, lsem0)
        scatter_wait(j1, a3_v1, ssem1)

        @pl.when(j1 + 2 < trows)
        def _():
            load_start(j1 + 2, a3_v1, lsem1)
        return carry
    lax.fori_loop(0, trows // 2, pair, 0)

    plsc.subcore_barrier()
    pltpu.sync_copy(s_sh.at[pl.ds(s * rows_n, rows_n)],
                    s_out.at[c, pl.ds(s * rows_n, rows_n)])


def _sc_edge_body(N, E, C,
                  tbw2_hbm, dst_hbm, src_hbm, h_hbm, z128_hbm, h2b_out,
                  dst_v, src_v, rows_v0, rows_v1, w_v0, w_v1, hout_sh,
                  gsem0, gsem1, wsem0, wsem1, ssem0, ssem1):
    c = lax.axis_index("c")
    s = lax.axis_index("s")
    wid = s * 2 + c
    rows_n = N // 16
    erows = (E // CW) // NTILES

    pltpu.sync_copy(z128_hbm.at[pl.ds(s * rows_n, rows_n)],
                    hout_sh.at[pl.ds(s * rows_n, rows_n)])
    plsc.subcore_barrier()

    pltpu.sync_copy(dst_hbm.at[pl.ds(wid * erows, erows)], dst_v)
    pltpu.sync_copy(src_hbm.at[pl.ds(wid * erows, erows)], src_v)

    def in_start(j, rbuf, wbuf, gsem, wsem):
        pltpu.async_copy(h_hbm.at[dst_v.at[j]], rbuf, gsem)
        pltpu.async_copy(
            tbw2_hbm.at[pl.ds((wid * erows + j) * CW, CW)], wbuf, wsem)

    def in_wait(j, rbuf, wbuf, gsem, wsem):
        pltpu.make_async_copy(h_hbm.at[dst_v.at[j]], rbuf, gsem).wait()
        pltpu.make_async_copy(
            tbw2_hbm.at[pl.ds((wid * erows + j) * CW, CW)], wbuf, wsem).wait()

    def mul(rbuf, wbuf):
        def mul_row(i, c2):
            for l in range(C // 16):
                sl = pl.ds(l * 16, 16)
                rbuf[i, sl] = rbuf[i, sl] * wbuf[i, sl]
            return c2
        lax.fori_loop(0, CW, mul_row, 0)

    in_start(0, rows_v0, w_v0, gsem0, wsem0)
    in_start(1, rows_v1, w_v1, gsem1, wsem1)

    def pair(gi, carry):
        j0 = 2 * gi
        j1 = j0 + 1
        in_wait(j0, rows_v0, w_v0, gsem0, wsem0)
        mul(rows_v0, w_v0)
        pltpu.async_copy(rows_v0, hout_sh.at[src_v.at[j0]], ssem0, add=True)
        in_wait(j1, rows_v1, w_v1, gsem1, wsem1)
        mul(rows_v1, w_v1)
        pltpu.async_copy(rows_v1, hout_sh.at[src_v.at[j1]], ssem1, add=True)
        pltpu.make_async_copy(rows_v0, hout_sh.at[src_v.at[j0]], ssem0).wait()

        @pl.when(j0 + 2 < erows)
        def _():
            in_start(j0 + 2, rows_v0, w_v0, gsem0, wsem0)
        pltpu.make_async_copy(rows_v1, hout_sh.at[src_v.at[j1]], ssem1).wait()

        @pl.when(j1 + 2 < erows)
        def _():
            in_start(j1 + 2, rows_v1, w_v1, gsem1, wsem1)
        return carry
    lax.fori_loop(0, erows // 2, pair, 0)

    plsc.subcore_barrier()
    pltpu.sync_copy(hout_sh.at[pl.ds(s * rows_n, rows_n)],
                    h2b_out.at[c, pl.ds(s * rows_n, rows_n)])


def _sc_gscatter_body(N, C, gp_rows,
                      g_hbm, srcn_hbm, z128_hbm, hg_out,
                      idx_v, g_v, hg_sh, sem):
    c = lax.axis_index("c")
    s = lax.axis_index("s")
    wid = s * 2 + c
    rows_n = N // 16
    rpt = gp_rows // NTILES

    pltpu.sync_copy(z128_hbm.at[pl.ds(s * rows_n, rows_n)],
                    hg_sh.at[pl.ds(s * rows_n, rows_n)])
    plsc.subcore_barrier()

    pltpu.sync_copy(srcn_hbm.at[pl.ds(wid * rpt, rpt)], idx_v)

    def step(j, _):
        base = (wid * rpt + j) * CW
        pltpu.sync_copy(g_hbm.at[pl.ds(base, CW)], g_v)
        pltpu.sync_copy(g_v, hg_sh.at[idx_v.at[j]], add=True)
        return _
    lax.fori_loop(0, rpt, step, 0)

    plsc.subcore_barrier()
    pltpu.sync_copy(hg_sh.at[pl.ds(s * rows_n, rows_n)],
                    hg_out.at[c, pl.ds(s * rows_n, rows_n)])



def kernel(features, neighbour_distances, edge_index, triplet_idxs, angles,
           r_ij, r_ik, W_pre, W_tb1, W_tb2, W_3b1, W_3b2, W_post):
    N, C = features.shape
    E = neighbour_distances.shape[0]
    T = angles.shape[0]
    H = W_3b1.shape[1]
    f32 = jnp.float32

    BN = 2000
    h = pl.pallas_call(
        _h_body,
        grid=(N // BN,),
        in_specs=[pl.BlockSpec((BN, C), lambda i: (i, 0)),
                  pl.BlockSpec((C, C), lambda i: (0, 0))],
        out_specs=pl.BlockSpec((BN, C), lambda i: (i, 0)),
        out_shape=jax.ShapeDtypeStruct((N, C), f32),
    )(features, W_pre)

    BE = 3200
    d3 = neighbour_distances.reshape(E // BE, 1, BE)
    tbw2 = pl.pallas_call(
        _tbw2_body,
        grid=(E // BE,),
        in_specs=[pl.BlockSpec((1, 1, BE), lambda i: (i, 0, 0)),
                  pl.BlockSpec((EXP, EXP), lambda i: (0, 0)),
                  pl.BlockSpec((EXP, C), lambda i: (0, 0))],
        out_specs=pl.BlockSpec((BE, C), lambda i: (i, 0)),
        out_shape=jax.ShapeDtypeStruct((E, C), f32),
    )(d3, W_tb1, W_tb2)

    TCW = 64
    BT = 4096
    Tp = -(-T // (NTILES * TCW * (BT // TCW))) * (NTILES * TCW * (BT // TCW))
    rij3 = jnp.pad(r_ij, (0, Tp - T)).reshape(Tp // BT, 1, BT)
    rik3 = jnp.pad(r_ik, (0, Tp - T)).reshape(Tp // BT, 1, BT)
    ang3 = jnp.pad(angles, (0, Tp - T)).reshape(Tp // BT, 1, BT)
    W_3b1p = jnp.pad(W_3b1, ((0, 0), (0, C - H)))
    W_3b2p = jnp.pad(W_3b2, ((0, C - H), (0, 0)))
    a3 = pl.pallas_call(
        functools.partial(_a3_body, T, BT),
        grid=(Tp // BT,),
        in_specs=[pl.BlockSpec((1, 1, BT), lambda i: (i, 0, 0)),
                  pl.BlockSpec((1, 1, BT), lambda i: (i, 0, 0)),
                  pl.BlockSpec((1, 1, BT), lambda i: (i, 0, 0)),
                  pl.BlockSpec((3, C), lambda i: (0, 0)),
                  pl.BlockSpec((8, C), lambda i: (0, 0))],
        out_specs=pl.BlockSpec((BT, C), lambda i: (i, 0)),
        out_shape=jax.ShapeDtypeStruct((Tp, C), f32),
    )(rij3, rik3, ang3, W_3b1p, tbw2)

    tidx2d = jnp.pad(triplet_idxs[:, 1], (0, Tp - T)).reshape(Tp // TCW, TCW)
    dst2d = edge_index[1].reshape(E // CW, CW)
    src2d = edge_index[0].reshape(E // CW, CW)
    z128 = jnp.zeros((N, C), f32)

    mesh = plsc.VectorSubcoreMesh(core_axis_name="c", subcore_axis_name="s",
                                  num_cores=2, num_subcores=16)
    sc_params = pltpu.CompilerParams(use_tc_tiling_on_sc=False)
    sc_edge = functools.partial(
        pl.kernel,
        compiler_params=sc_params,
        out_type=jax.ShapeDtypeStruct((2, N, C), f32),
        mesh=mesh,
        scratch_types=[
            pltpu.VMEM(((E // CW) // NTILES, CW), jnp.int32),
            pltpu.VMEM(((E // CW) // NTILES, CW), jnp.int32),
            pltpu.VMEM((CW, C), f32),
            pltpu.VMEM((CW, C), f32),
            pltpu.VMEM((CW, C), f32),
            pltpu.VMEM((CW, C), f32),
            pltpu.VMEM_SHARED((N, C), f32),
            pltpu.SemaphoreType.DMA,
            pltpu.SemaphoreType.DMA,
            pltpu.SemaphoreType.DMA,
            pltpu.SemaphoreType.DMA,
            pltpu.SemaphoreType.DMA,
            pltpu.SemaphoreType.DMA,
        ],
    )(functools.partial(_sc_edge_body, N, E, C))
    h2bp = sc_edge(tbw2, dst2d, src2d, h, z128)

    sc_tri = functools.partial(
        pl.kernel,
        compiler_params=sc_params,
        out_type=jax.ShapeDtypeStruct((2, N, C), f32),
        mesh=mesh,
        scratch_types=[
            pltpu.VMEM(((Tp // TCW) // NTILES, TCW), jnp.int32),
            pltpu.VMEM((TCW, C), f32),
            pltpu.VMEM((TCW, C), f32),
            pltpu.VMEM_SHARED((N, C), f32),
            pltpu.SemaphoreType.DMA,
            pltpu.SemaphoreType.DMA,
            pltpu.SemaphoreType.DMA,
            pltpu.SemaphoreType.DMA,
        ],
    )(functools.partial(_sc_tri_body, N, Tp, TCW))
    sp = sc_tri(a3, tidx2d, z128)

    g = pl.pallas_call(
        _g_body,
        grid=(N // BN,),
        in_specs=[pl.BlockSpec((2, BN, C), lambda i: (0, i, 0)),
                  pl.BlockSpec((BN, C), lambda i: (i, 0)),
                  pl.BlockSpec((C, C), lambda i: (0, 0))],
        out_specs=pl.BlockSpec((BN, C), lambda i: (i, 0)),
        out_shape=jax.ShapeDtypeStruct((N, C), f32),
    )(sp, h, W_3b2p)

    gp_rows = ((N // CW) + NTILES - 1) // NTILES * NTILES
    npad = gp_rows * CW
    g_pad = jnp.concatenate([g, jnp.zeros((npad - N, C), f32)], axis=0)
    srcn = jnp.concatenate(
        [edge_index[0, :N], jnp.zeros((npad - N,), jnp.int32)]).reshape(gp_rows, CW)

    sc_g = functools.partial(
        pl.kernel,
        compiler_params=sc_params,
        out_type=jax.ShapeDtypeStruct((2, N, C), f32),
        mesh=mesh,
        scratch_types=[
            pltpu.VMEM((gp_rows // NTILES, CW), jnp.int32),
            pltpu.VMEM((CW, C), f32),
            pltpu.VMEM_SHARED((N, C), f32),
            pltpu.SemaphoreType.DMA,
        ],
    )(functools.partial(_sc_gscatter_body, N, C, gp_rows))
    hgp = sc_g(g_pad, srcn, z128)

    out = pl.pallas_call(
        _out_body,
        grid=(N // BN,),
        in_specs=[pl.BlockSpec((2, BN, C), lambda i: (0, i, 0)),
                  pl.BlockSpec((2, BN, C), lambda i: (0, i, 0)),
                  pl.BlockSpec((C, C), lambda i: (0, 0))],
        out_specs=pl.BlockSpec((BN, C), lambda i: (i, 0)),
        out_shape=jax.ShapeDtypeStruct((N, C), f32),
    )(h2bp, hgp, W_post)
    return out

# --- scband reference (transcript-rebuilt; emitter-appended) ---
"""Pipeline reference for scband-m3-gnet-interaction-66357244723541 (READ-ONLY COPY).

The authoritative reference and input builder live on the scoring server;
editing this copy changes nothing except your own understanding.
"""

import jax, jax.numpy as jnp
import numpy as np

N = 10000
E = 320000
T = 640000
C = 128
EXP = 16
CUTOFF = 5.0


def shifted_softplus(x):
    return jax.nn.softplus(x) - jnp.log(2.0)


def gaussian_expansion(d):
    # d: [E, 1] -> [E, EXP]; Gaussian smearing distance expansion
    centers = jnp.linspace(0.0, CUTOFF, EXP)
    gamma = (EXP / CUTOFF) ** 2
    return jnp.exp(-gamma * (d - centers[None, :]) ** 2)


def setup_inputs(seed: int = 0) -> dict:
    key = jax.random.key(seed)
    ks = jax.random.split(key, 12)
    features = jax.random.normal(ks[0], (N, C), dtype=jnp.float32)
    neighbour_distances = jax.random.uniform(ks[1], (E,), dtype=jnp.float32) * CUTOFF
    edge_index = jax.random.randint(ks[2], (2, E), 0, N, dtype=jnp.int32)
    triplet_idxs = jax.random.randint(ks[3], (T, 2), 0, N, dtype=jnp.int32)
    angles = jax.random.uniform(ks[4], (T,), dtype=jnp.float32) * np.pi
    r_ij = jax.random.uniform(ks[5], (T,), dtype=jnp.float32) * CUTOFF
    r_ik = jax.random.uniform(ks[6], (T,), dtype=jnp.float32) * CUTOFF
    W_pre = jax.random.normal(ks[7], (C, C), dtype=jnp.float32) / jnp.sqrt(C)
    W_tb1 = jax.random.normal(ks[8], (EXP, EXP), dtype=jnp.float32) / jnp.sqrt(EXP)
    W_tb2 = jax.random.normal(ks[9], (EXP, C), dtype=jnp.float32) / jnp.sqrt(EXP)
    W_3b1 = jax.random.normal(ks[10], (3, C // 2), dtype=jnp.float32) / jnp.sqrt(3.0)
    W_3b2 = jax.random.normal(ks[11], (C // 2, C), dtype=jnp.float32) / jnp.sqrt(C // 2)
    W_post = jax.random.normal(jax.random.fold_in(key, 99), (C, C), dtype=jnp.float32) / jnp.sqrt(C)
    return {
        'features': features,
        'neighbour_distances': neighbour_distances,
        'edge_index': edge_index,
        'triplet_idxs': triplet_idxs,
        'angles': angles,
        'r_ij': r_ij,
        'r_ik': r_ik,
        'W_pre': W_pre,
        'W_tb1': W_tb1,
        'W_tb2': W_tb2,
        'W_3b1': W_3b1,
        'W_3b2': W_3b2,
        'W_post': W_post,
    }


def reference(features, neighbour_distances, edge_index, triplet_idxs, angles, r_ij, r_ik,
              W_pre, W_tb1, W_tb2, W_3b1, W_3b2, W_post):
    # pre-linear (bias=False)
    h = features @ W_pre
    # radial basis with smooth cosine cutoff envelope
    rb = gaussian_expansion(neighbour_distances[:, None])
    cutoff_mask = (neighbour_distances < CUTOFF).astype(jnp.float32)
    cutoff_values = 0.5 * (1.0 + jnp.cos(np.pi * neighbour_distances / CUTOFF))
    rb = rb * cutoff_values[:, None] * cutoff_mask[:, None]
    # two-body MLP: [EXP, EXP, C], ShiftedSoftplus between layers, no bias
    two_body_w = shifted_softplus(rb @ W_tb1) @ W_tb2
    # gather neighbour features per edge (index_over_neighbours)
    neighbor_h = jnp.take(h, edge_index[1], axis=0)
    two_body_messages = neighbor_h * two_body_w
    # three-body messages
    three_body_features = jnp.stack([r_ij, r_ik, jnp.cos(angles)], axis=-1)
    three_body_weights = shifted_softplus(three_body_features @ W_3b1) @ W_3b2
    neighbor_features = jnp.take(h, triplet_idxs[:, 1], axis=0)
    messages = neighbor_features * three_body_weights
    edge_messages = jnp.zeros((E, C), dtype=jnp.float32).at[triplet_idxs[:, 1]].add(messages)
    # aggregate edge messages into central nodes (sum_over_neighbours)
    all_messages = two_body_messages + edge_messages
    h_out = jax.ops.segment_sum(all_messages, edge_index[0], num_segments=N)
    # post-linear (bias=False)
    return h_out @ W_post

if __name__ == "__main__":
    import jax
    _d = setup_inputs()
    print(jax.jit(kernel)(*tuple(_d.values())))

</pallas_src>

<mosaic_0001>
#map = affine_map<(d0, d1) -> (0, 0)>
#map1 = affine_map<(d0, d1) -> (0, 0, 0)>
module attributes {stable_mosaic.version = 14 : i64} {
  func.func @_sc_edge_body(%arg0: i32, %arg1: i32, %arg2: memref<320000x128xf32, #tpu.memory_space<hbm>>, %arg3: memref<8000x40xi32, #tpu.memory_space<hbm>>, %arg4: memref<8000x40xi32, #tpu.memory_space<hbm>>, %arg5: memref<10000x128xf32, #tpu.memory_space<hbm>>, %arg6: memref<10000x128xf32, #tpu.memory_space<hbm>>, %arg7: memref<2x10000x128xf32, #tpu.memory_space<hbm>>, %arg8: memref<250x40xi32, #tpu.memory_space<vmem>>, %arg9: memref<250x40xi32, #tpu.memory_space<vmem>>, %arg10: memref<40x128xf32, #tpu.memory_space<vmem>>, %arg11: memref<40x128xf32, #tpu.memory_space<vmem>>, %arg12: memref<40x128xf32, #tpu.memory_space<vmem>>, %arg13: memref<40x128xf32, #tpu.memory_space<vmem>>, %arg14: memref<10000x128xf32, #tpu.memory_space<vmem_shared>>, %arg15: memref<!tpu.dma_semaphore, #tpu.memory_space<semaphore_mem>>, %arg16: memref<!tpu.dma_semaphore, #tpu.memory_space<semaphore_mem>>, %arg17: memref<!tpu.dma_semaphore, #tpu.memory_space<semaphore_mem>>, %arg18: memref<!tpu.dma_semaphore, #tpu.memory_space<semaphore_mem>>, %arg19: memref<!tpu.dma_semaphore, #tpu.memory_space<semaphore_mem>>, %arg20: memref<!tpu.dma_semaphore, #tpu.memory_space<semaphore_mem>>) attributes {dimension_semantics = [#tpu.dimension_semantics<core_parallel>, #tpu.dimension_semantics<subcore_parallel>], iteration_bounds = array<i64: 2, 16>, scalar_prefetch = 0 : i64, scratch_operands = 13 : i64, tpu.core_type = #tpu.core_type<sc_vector_subcore>, window_params = [{transform_indices = #map}, {transform_indices = #map}, {transform_indices = #map}, {transform_indices = #map}, {transform_indices = #map}, {transform_indices = #map1}]} {
    %mul3A = arith.constant 2 : i32
    %mul3A_0 = arith.muli %arg1, %mul3A : i32
    %add3A = arith.addi %mul3A_0, %arg0 : i32
    %mul3A_1 = arith.constant 625 : i32
    %mul3A_2 = arith.muli %arg1, %mul3A_1 : i32
    %mul3A_3 = arith.constant 625 : i32
    %mul3A_4 = arith.muli %arg1, %mul3A_3 : i32
    "tpu.region"() ({
      %run_scoped3A = tpu.sem_alloc : memref<!tpu.dma_semaphore, #tpu.memory_space<semaphore_mem>>
      %dma_start3A_52 = arith.constant 0 : i32
      %dma_start3A_53 = tpu.memref_slice %arg14[%mul3A_4, %dma_start3A_52] : memref<10000x128xf32, #tpu.memory_space<vmem_shared>> -> memref<625x128xf32, #tpu.memory_space<vmem_shared>>
      %dma_start3A_54 = arith.constant 0 : i32
      %dma_start3A_55 = tpu.memref_slice %arg6[%mul3A_2, %dma_start3A_54] : memref<10000x128xf32, #tpu.memory_space<hbm>> -> memref<625x128xf32, #tpu.memory_space<hbm>>
      tpu.enqueue_dma source(%dma_start3A_55 : memref<625x128xf32, #tpu.memory_space<hbm>>) target(%dma_start3A_53 : memref<625x128xf32, #tpu.memory_space<vmem_shared>>) target_semaphore(%run_scoped3A : memref<!tpu.dma_semaphore, #tpu.memory_space<semaphore_mem>>)
      %dma_wait3A = arith.constant 0 : i32
      %dma_wait3A_56 = tpu.memref_slice %arg14[%mul3A_4, %dma_wait3A] : memref<10000x128xf32, #tpu.memory_space<vmem_shared>> -> memref<625x128xf32, #tpu.memory_space<vmem_shared>>
      %dma_wait3A_57 = arith.constant 0 : i32
      %dma_wait3A_58 = tpu.memref_slice %arg6[%mul3A_2, %dma_wait3A_57] : memref<10000x128xf32, #tpu.memory_space<hbm>> -> memref<625x128xf32, #tpu.memory_space<hbm>>
      tpu.wait_dma2 semaphore(%run_scoped3A : memref<!tpu.dma_semaphore, #tpu.memory_space<semaphore_mem>>) src(%dma_wait3A_58 : memref<625x128xf32, #tpu.memory_space<hbm>>) dst(%dma_wait3A_56 : memref<625x128xf32, #tpu.memory_space<vmem_shared>>)
      tpu.yield
    }) : () -> ()
    %barrier3A = arith.constant 0 : index
    tpu.barrier barrier_id(%barrier3A)
    %mul3A_5 = arith.constant 250 : i32
    %mul3A_6 = arith.muli %add3A, %mul3A_5 : i32
    "tpu.region"() ({
      %run_scoped3A = tpu.sem_alloc : memref<!tpu.dma_semaphore, #tpu.memory_space<semaphore_mem>>
      %dma_start3A_52 = arith.constant 0 : i32
      %dma_start3A_53 = tpu.memref_slice %arg3[%mul3A_6, %dma_start3A_52] : memref<8000x40xi32, #tpu.memory_space<hbm>> -> memref<250x40xi32, #tpu.memory_space<hbm>>
      %dma_start3A_54 = arith.constant 0 : i32
      %dma_start3A_55 = tpu.memref_slice %arg3[%mul3A_6, %dma_start3A_54] : memref<8000x40xi32, #tpu.memory_space<hbm>> -> memref<250x40xi32, #tpu.memory_space<hbm>>
      tpu.enqueue_dma source(%dma_start3A_55 : memref<250x40xi32, #tpu.memory_space<hbm>>) target(%arg8 : memref<250x40xi32, #tpu.memory_space<vmem>>) target_semaphore(%run_scoped3A : memref<!tpu.dma_semaphore, #tpu.memory_space<semaphore_mem>>)
      %dma_wait3A = arith.constant 0 : i32
      %dma_wait3A_56 = tpu.memref_slice %arg3[%mul3A_6, %dma_wait3A] : memref<8000x40xi32, #tpu.memory_space<hbm>> -> memref<250x40xi32, #tpu.memory_space<hbm>>
      %dma_wait3A_57 = arith.constant 0 : i32
      %dma_wait3A_58 = tpu.memref_slice %arg3[%mul3A_6, %dma_wait3A_57] : memref<8000x40xi32, #tpu.memory_space<hbm>> -> memref<250x40xi32, #tpu.memory_space<hbm>>
      tpu.wait_dma2 semaphore(%run_scoped3A : memref<!tpu.dma_semaphore, #tpu.memory_space<semaphore_mem>>) src(%dma_wait3A_58 : memref<250x40xi32, #tpu.memory_space<hbm>>) dst(%arg8 : memref<250x40xi32, #tpu.memory_space<vmem>>)
      tpu.yield
    }) : () -> ()
    %mul3A_7 = arith.constant 250 : i32
    %mul3A_8 = arith.muli %add3A, %mul3A_7 : i32
    "tpu.region"() ({
      %run_scoped3A = tpu.sem_alloc : memref<!tpu.dma_semaphore, #tpu.memory_space<semaphore_mem>>
      %dma_start3A_52 = arith.constant 0 : i32
      %dma_start3A_53 = tpu.memref_slice %arg4[%mul3A_8, %dma_start3A_52] : memref<8000x40xi32, #tpu.memory_space<hbm>> -> memref<250x40xi32, #tpu.memory_space<hbm>>
      %dma_start3A_54 = arith.constant 0 : i32
      %dma_start3A_55 = tpu.memref_slice %arg4[%mul3A_8, %dma_start3A_54] : memref<8000x40xi32, #tpu.memory_space<hbm>> -> memref<250x40xi32, #tpu.memory_space<hbm>>
      tpu.enqueue_dma source(%dma_start3A_55 : memref<250x40xi32, #tpu.memory_space<hbm>>) target(%arg9 : memref<250x40xi32, #tpu.memory_space<vmem>>) target_semaphore(%run_scoped3A : memref<!tpu.dma_semaphore, #tpu.memory_space<semaphore_mem>>)
      %dma_wait3A = arith.constant 0 : i32
      %dma_wait3A_56 = tpu.memref_slice %arg4[%mul3A_8, %dma_wait3A] : memref<8000x40xi32, #tpu.memory_space<hbm>> -> memref<250x40xi32, #tpu.memory_space<hbm>>
      %dma_wait3A_57 = arith.constant 0 : i32
      %dma_wait3A_58 = tpu.memref_slice %arg4[%mul3A_8, %dma_wait3A_57] : memref<8000x40xi32, #tpu.memory_space<hbm>> -> memref<250x40xi32, #tpu.memory_space<hbm>>
      tpu.wait_dma2 semaphore(%run_scoped3A : memref<!tpu.dma_semaphore, #tpu.memory_space<semaphore_mem>>) src(%dma_wait3A_58 : memref<250x40xi32, #tpu.memory_space<hbm>>) dst(%arg9 : memref<250x40xi32, #tpu.memory_space<vmem>>)
      tpu.yield
    }) : () -> ()
    %dma_start3A = arith.constant 0 : i32
    %dma_start3A_9 = arith.constant 0 : i32
    %dma_start3A_10 = tpu.memref_slice %arg8[%dma_start3A, %dma_start3A_9] : memref<250x40xi32, #tpu.memory_space<vmem>> -> memref<1x40xi32, #tpu.memory_space<vmem>>
    %dma_start3A_11 = tpu.memref_squeeze %dma_start3A_10 : memref<1x40xi32, #tpu.memory_space<vmem>> -> memref<40xi32, #tpu.memory_space<vmem>>
    %dma_start3A_12 = arith.constant 0 : i32
    %dma_start3A_13 = arith.constant 0 : i32
    %dma_start3A_14 = tpu.memref_slice %arg5[%dma_start3A_12, %dma_start3A_13] : memref<10000x128xf32, #tpu.memory_space<hbm>> -> memref<10000x128xf32, #tpu.memory_space<hbm>>
    tpu.enqueue_indirect_dma source(%dma_start3A_14 : memref<10000x128xf32, #tpu.memory_space<hbm>>) target(%arg10 : memref<40x128xf32, #tpu.memory_space<vmem>>) offsets(%dma_start3A_11 : memref<40xi32, #tpu.memory_space<vmem>>) semaphore(%arg15 : memref<!tpu.dma_semaphore, #tpu.memory_space<semaphore_mem>>)
    %mul3A_15 = arith.constant 250 : i32
    %mul3A_16 = arith.muli %add3A, %mul3A_15 : i32
    %add3A_17 = arith.constant 0 : i32
    %add3A_18 = arith.addi %mul3A_16, %add3A_17 : i32
    %mul3A_19 = arith.constant 40 : i32
    %mul3A_20 = arith.muli %add3A_18, %mul3A_19 : i32
    %dma_start3A_21 = arith.constant 0 : i32
    %dma_start3A_22 = tpu.memref_slice %arg2[%mul3A_20, %dma_start3A_21] : memref<320000x128xf32, #tpu.memory_space<hbm>> -> memref<40x128xf32, #tpu.memory_space<hbm>>
    %dma_start3A_23 = arith.constant 0 : i32
    %dma_start3A_24 = tpu.memref_slice %arg2[%mul3A_20, %dma_start3A_23] : memref<320000x128xf32, #tpu.memory_space<hbm>> -> memref<40x128xf32, #tpu.memory_space<hbm>>
    tpu.enqueue_dma source(%dma_start3A_24 : memref<40x128xf32, #tpu.memory_space<hbm>>) target(%arg12 : memref<40x128xf32, #tpu.memory_space<vmem>>) target_semaphore(%arg17 : memref<!tpu.dma_semaphore, #tpu.memory_space<semaphore_mem>>)
    %dma_start3A_25 = arith.constant 1 : i32
    %dma_start3A_26 = arith.constant 0 : i32
    %dma_start3A_27 = tpu.memref_slice %arg8[%dma_start3A_25, %dma_start3A_26] : memref<250x40xi32, #tpu.memory_space<vmem>> -> memref<1x40xi32, #tpu.memory_space<vmem>>
    %dma_start3A_28 = tpu.memref_squeeze %dma_start3A_27 : memref<1x40xi32, #tpu.memory_space<vmem>> -> memref<40xi32, #tpu.memory_space<vmem>>
    %dma_start3A_29 = arith.constant 0 : i32
    %dma_start3A_30 = arith.constant 0 : i32
    %dma_start3A_31 = tpu.memref_slice %arg5[%dma_start3A_29, %dma_start3A_30] : memref<10000x128xf32, #tpu.memory_space<hbm>> -> memref<10000x128xf32, #tpu.memory_space<hbm>>
    tpu.enqueue_indirect_dma source(%dma_start3A_31 : memref<10000x128xf32, #tpu.memory_space<hbm>>) target(%arg11 : memref<40x128xf32, #tpu.memory_space<vmem>>) offsets(%dma_start3A_28 : memref<40xi32, #tpu.memory_space<vmem>>) semaphore(%arg16 : memref<!tpu.dma_semaphore, #tpu.memory_space<semaphore_mem>>)
    %mul3A_32 = arith.constant 250 : i32
    %mul3A_33 = arith.muli %add3A, %mul3A_32 : i32
    %add3A_34 = arith.constant 1 : i32
    %add3A_35 = arith.addi %mul3A_33, %add3A_34 : i32
    %mul3A_36 = arith.constant 40 : i32
    %mul3A_37 = arith.muli %add3A_35, %mul3A_36 : i32
    %dma_start3A_38 = arith.constant 0 : i32
    %dma_start3A_39 = tpu.memref_slice %arg2[%mul3A_37, %dma_start3A_38] : memref<320000x128xf32, #tpu.memory_space<hbm>> -> memref<40x128xf32, #tpu.memory_space<hbm>>
    %dma_start3A_40 = arith.constant 0 : i32
    %dma_start3A_41 = tpu.memref_slice %arg2[%mul3A_37, %dma_start3A_40] : memref<320000x128xf32, #tpu.memory_space<hbm>> -> memref<40x128xf32, #tpu.memory_space<hbm>>
    tpu.enqueue_dma source(%dma_start3A_41 : memref<40x128xf32, #tpu.memory_space<hbm>>) target(%arg13 : memref<40x128xf32, #tpu.memory_space<vmem>>) target_semaphore(%arg18 : memref<!tpu.dma_semaphore, #tpu.memory_space<semaphore_mem>>)
    %scan3A = arith.constant 0 : i32
    %scan3A_42 = arith.constant 0 : i32
    %scan3A_43 = arith.constant 125 : i32
    %scan3A_44 = arith.addi %scan3A_42, %scan3A_43 : i32
    %scan3A_45 = arith.constant 1 : i32
    scf.for %scan3A_52 = %scan3A_42 to %scan3A_44 step %scan3A_45  : i32 {
      %mul3A_53 = arith.constant 2 : i32
      %mul3A_54 = arith.muli %mul3A_53, %scan3A_52 : i32
      %add3A_55 = arith.constant 1 : i32
      %add3A_56 = arith.addi %mul3A_54, %add3A_55 : i32
      %dma_wait3A = arith.constant 0 : i32
      %dma_wait3A_57 = tpu.memref_slice %arg8[%mul3A_54, %dma_wait3A] : memref<250x40xi32, #tpu.memory_space<vmem>> -> memref<1x40xi32, #tpu.memory_space<vmem>>
      %dma_wait3A_58 = tpu.memref_squeeze %dma_wait3A_57 : memref<1x40xi32, #tpu.memory_space<vmem>> -> memref<40xi32, #tpu.memory_space<vmem>>
      %dma_wait3A_59 = arith.constant 0 : i32
      %dma_wait3A_60 = arith.constant 0 : i32
      %dma_wait3A_61 = tpu.memref_slice %arg5[%dma_wait3A_59, %dma_wait3A_60] : memref<10000x128xf32, #tpu.memory_space<hbm>> -> memref<10000x128xf32, #tpu.memory_space<hbm>>
      tpu.wait_indirect_dma semaphore(%arg15 : memref<!tpu.dma_semaphore, #tpu.memory_space<semaphore_mem>>) src(%dma_wait3A_61 : memref<10000x128xf32, #tpu.memory_space<hbm>>) dst(%arg10 : memref<40x128xf32, #tpu.memory_space<vmem>>)
      %mul3A_62 = arith.constant 250 : i32
      %mul3A_63 = arith.muli %add3A, %mul3A_62 : i32
      %add3A_64 = arith.addi %mul3A_63, %mul3A_54 : i32
      %mul3A_65 = arith.constant 40 : i32
      %mul3A_66 = arith.muli %add3A_64, %mul3A_65 : i32
      %dma_wait3A_67 = arith.constant 0 : i32
      %dma_wait3A_68 = tpu.memref_slice %arg2[%mul3A_66, %dma_wait3A_67] : memref<320000x128xf32, #tpu.memory_space<hbm>> -> memref<40x128xf32, #tpu.memory_space<hbm>>
      %dma_wait3A_69 = arith.constant 0 : i32
      %dma_wait3A_70 = tpu.memref_slice %arg2[%mul3A_66, %dma_wait3A_69] : memref<320000x128xf32, #tpu.memory_space<hbm>> -> memref<40x128xf32, #tpu.memory_space<hbm>>
      tpu.wait_dma2 semaphore(%arg17 : memref<!tpu.dma_semaphore, #tpu.memory_space<semaphore_mem>>) src(%dma_wait3A_70 : memref<40x128xf32, #tpu.memory_space<hbm>>) dst(%arg12 : memref<40x128xf32, #tpu.memory_space<vmem>>)
      %scan3A_71 = arith.constant 0 : i32
      %scan3A_72 = arith.constant 0 : i32
      %scan3A_73 = arith.constant 40 : i32
      %scan3A_74 = arith.addi %scan3A_72, %scan3A_73 : i32
      %scan3A_75 = arith.constant 1 : i32
      scf.for %scan3A_133 = %scan3A_72 to %scan3A_74 step %scan3A_75  : i32 {
        %get3A = arith.index_cast %scan3A_133 : i32 to index
        %get3A_134 = arith.constant 0 : index
        %get3A_135 = tpu.vector_load %arg10[%get3A, %get3A_134] {strides = array<i32>} : memref<40x128xf32, #tpu.memory_space<vmem>>, vector<1x16xf32>,
        %get3A_136 = vector.shape_cast %get3A_135 : vector<1x16xf32> to vector<16xf32>
        %get3A_137 = arith.index_cast %scan3A_133 : i32 to index
        %get3A_138 = arith.constant 0 : index
        %get3A_139 = tpu.vector_load %arg12[%get3A_137, %get3A_138] {strides = array<i32>} : memref<40x128xf32, #tpu.memory_space<vmem>>, vector<1x16xf32>,
        %get3A_140 = vector.shape_cast %get3A_139 : vector<1x16xf32> to vector<16xf32>
        %mul3A_141 = arith.mulf %get3A_136, %get3A_140 : vector<16xf32>
        %swap3A = arith.index_cast %scan3A_133 : i32 to index
        %swap3A_142 = arith.constant 0 : index
        %swap3A_143 = tpu.vector_load %arg10[%swap3A, %swap3A_142] {strides = array<i32>} : memref<40x128xf32, #tpu.memory_space<vmem>>, vector<1x16xf32>,
        %swap3A_144 = vector.shape_cast %swap3A_143 : vector<1x16xf32> to vector<16xf32>
        %swap3A_145 = vector.shape_cast %mul3A_141 : vector<16xf32> to vector<1x16xf32>
        tpu.vector_store %arg10[%swap3A, %swap3A_142], %swap3A_145 {strides = array<i32>} : memref<40x128xf32, #tpu.memory_space<vmem>>, vector<1x16xf32>,
        %get3A_146 = arith.index_cast %scan3A_133 : i32 to index
        %get3A_147 = arith.constant 16 : index
        %get3A_148 = tpu.vector_load %arg10[%get3A_146, %get3A_147] {strides = array<i32>} : memref<40x128xf32, #tpu.memory_space<vmem>>, vector<1x16xf32>,
        %get3A_149 = vector.shape_cast %get3A_148 : vector<1x16xf32> to vector<16xf32>
        %get3A_150 = arith.index_cast %scan3A_133 : i32 to index
        %get3A_151 = arith.constant 16 : index
        %get3A_152 = tpu.vector_load %arg12[%get3A_150, %get3A_151] {strides = array<i32>} : memref<40x128xf32, #tpu.memory_space<vmem>>, vector<1x16xf32>,
        %get3A_153 = vector.shape_cast %get3A_152 : vector<1x16xf32> to vector<16xf32>
        %mul3A_154 = arith.mulf %get3A_149, %get3A_153 : vector<16xf32>
        %swap3A_155 = arith.index_cast %scan3A_133 : i32 to index
        %swap3A_156 = arith.constant 16 : index
        %swap3A_157 = tpu.vector_load %arg10[%swap3A_155, %swap3A_156] {strides = array<i32>} : memref<40x128xf32, #tpu.memory_space<vmem>>, vector<1x16xf32>,
        %swap3A_158 = vector.shape_cast %swap3A_157 : vector<1x16xf32> to vector<16xf32>
        %swap3A_159 = vector.shape_cast %mul3A_154 : vector<16xf32> to vector<1x16xf32>
        tpu.vector_store %arg10[%swap3A_155, %swap3A_156], %swap3A_159 {strides = array<i32>} : memref<40x128xf32, #tpu.memory_space<vmem>>, vector<1x16xf32>,
        %get3A_160 = arith.index_cast %scan3A_133 : i32 to index
        %get3A_161 = arith.constant 32 : index
        %get3A_162 = tpu.vector_load %arg10[%get3A_160, %get3A_161] {strides = array<i32>} : memref<40x128xf32, #tpu.memory_space<vmem>>, vector<1x16xf32>,
        %get3A_163 = vector.shape_cast %get3A_162 : vector<1x16xf32> to vector<16xf32>
        %get3A_164 = arith.index_cast %scan3A_133 : i32 to index
        %get3A_165 = arith.constant 32 : index
        %get3A_166 = tpu.vector_load %arg12[%get3A_164, %get3A_165] {strides = array<i32>} : memref<40x128xf32, #tpu.memory_space<vmem>>, vector<1x16xf32>,
        %get3A_167 = vector.shape_cast %get3A_166 : vector<1x16xf32> to vector<16xf32>
        %mul3A_168 = arith.mulf %get3A_163, %get3A_167 : vector<16xf32>
        %swap3A_169 = arith.index_cast %scan3A_133 : i32 to index
        %swap3A_170 = arith.constant 32 : index
        %swap3A_171 = tpu.vector_load %arg10[%swap3A_169, %swap3A_170] {strides = array<i32>} : memref<40x128xf32, #tpu.memory_space<vmem>>, vector<1x16xf32>,
        %swap3A_172 = vector.shape_cast %swap3A_171 : vector<1x16xf32> to vector<16xf32>
        %swap3A_173 = vector.shape_cast %mul3A_168 : vector<16xf32> to vector<1x16xf32>
        tpu.vector_store %arg10[%swap3A_169, %swap3A_170], %swap3A_173 {strides = array<i32>} : memref<40x128xf32, #tpu.memory_space<vmem>>, vector<1x16xf32>,
        %get3A_174 = arith.index_cast %scan3A_133 : i32 to index
        %get3A_175 = arith.constant 48 : index
        %get3A_176 = tpu.vector_load %arg10[%get3A_174, %get3A_175] {strides = array<i32>} : memref<40x128xf32, #tpu.memory_space<vmem>>, vector<1x16xf32>,
        %get3A_177 = vector.shape_cast %get3A_176 : vector<1x16xf32> to vector<16xf32>
        %get3A_178 = arith.index_cast %scan3A_133 : i32 to index
        %get3A_179 = arith.constant 48 : index
        %get3A_180 = tpu.vector_load %arg12[%get3A_178, %get3A_179] {strides = array<i32>} : memref<40x128xf32, #tpu.memory_space<vmem>>, vector<1x16xf32>,
        %get3A_181 = vector.shape_cast %get3A_180 : vector<1x16xf32> to vector<16xf32>
        %mul3A_182 = arith.mulf %get3A_177, %get3A_181 : vector<16xf32>
        %swap3A_183 = arith.index_cast %scan3A_133 : i32 to index
        %swap3A_184 = arith.constant 48 : index
        %swap3A_185 = tpu.vector_load %arg10[%swap3A_183, %swap3A_184] {strides = array<i32>} : memref<40x128xf32, #tpu.memory_space<vmem>>, vector<1x16xf32>,
        %swap3A_186 = vector.shape_cast %swap3A_185 : vector<1x16xf32> to vector<16xf32>
        %swap3A_187 = vector.shape_cast %mul3A_182 : vector<16xf32> to vector<1x16xf32>
        tpu.vector_store %arg10[%swap3A_183, %swap3A_184], %swap3A_187 {strides = array<i32>} : memref<40x128xf32, #tpu.memory_space<vmem>>, vector<1x16xf32>,
        %get3A_188 = arith.index_cast %scan3A_133 : i32 to index
        %get3A_189 = arith.constant 64 : index
        %get3A_190 = tpu.vector_load %arg10[%get3A_188, %get3A_189] {strides = array<i32>} : memref<40x128xf32, #tpu.memory_space<vmem>>, vector<1x16xf32>,
        %get3A_191 = vector.shape_cast %get3A_190 : vector<1x16xf32> to vector<16xf32>
        %get3A_192 = arith.index_cast %scan3A_133 : i32 to index
        %get3A_193 = arith.constant 64 : index
        %get3A_194 = tpu.vector_load %arg12[%get3A_192, %get3A_193] {strides = array<i32>} : memref<40x128xf32, #tpu.memory_space<vmem>>, vector<1x16xf32>,
        %get3A_195 = vector.shape_cast %get3A_194 : vector<1x16xf32> to vector<16xf32>
        %mul3A_196 = arith.mulf %get3A_191, %get3A_195 : vector<16xf32>
        %swap3A_197 = arith.index_cast %scan3A_133 : i32 to index
        %swap3A_198 = arith.constant 64 : index
        %swap3A_199 = tpu.vector_load %arg10[%swap3A_197, %swap3A_198] {strides = array<i32>} : memref<40x128xf32, #tpu.memory_space<vmem>>, vector<1x16xf32>,
        %swap3A_200 = vector.shape_cast %swap3A_199 : vector<1x16xf32> to vector<16xf32>
        %swap3A_201 = vector.shape_cast %mul3A_196 : vector<16xf32> to vector<1x16xf32>
        tpu.vector_store %arg10[%swap3A_197, %swap3A_198], %swap3A_201 {strides = array<i32>} : memref<40x128xf32, #tpu.memory_space<vmem>>, vector<1x16xf32>,
        %get3A_202 = arith.index_cast %scan3A_133 : i32 to index
        %get3A_203 = arith.constant 80 : index
        %get3A_204 = tpu.vector_load %arg10[%get3A_202, %get3A_203] {strides = array<i32>} : memref<40x128xf32, #tpu.memory_space<vmem>>, vector<1x16xf32>,
        %get3A_205 = vector.shape_cast %get3A_204 : vector<1x16xf32> to vector<16xf32>
        %get3A_206 = arith.index_cast %scan3A_133 : i32 to index
        %get3A_207 = arith.constant 80 : index
        %get3A_208 = tpu.vector_load %arg12[%get3A_206, %get3A_207] {strides = array<i32>} : memref<40x128xf32, #tpu.memory_space<vmem>>, vector<1x16xf32>,
        %get3A_209 = vector.shape_cast %get3A_208 : vector<1x16xf32> to vector<16xf32>
        %mul3A_210 = arith.mulf %get3A_205, %get3A_209 : vector<16xf32>
        %swap3A_211 = arith.index_cast %scan3A_133 : i32 to index
        %swap3A_212 = arith.constant 80 : index
        %swap3A_213 = tpu.vector_load %arg10[%swap3A_211, %swap3A_212] {strides = array<i32>} : memref<40x128xf32, #tpu.memory_space<vmem>>, vector<1x16xf32>,
        %swap3A_214 = vector.shape_cast %swap3A_213 : vector<1x16xf32> to vector<16xf32>
        %swap3A_215 = vector.shape_cast %mul3A_210 : vector<16xf32> to vector<1x16xf32>
        tpu.vector_store %arg10[%swap3A_211, %swap3A_212], %swap3A_215 {strides = array<i32>} : memref<40x128xf32, #tpu.memory_space<vmem>>, vector<1x16xf32>,
        %get3A_216 = arith.index_cast %scan3A_133 : i32 to index
        %get3A_217 = arith.constant 96 : index
        %get3A_218 = tpu.vector_load %arg10[%get3A_216, %get3A_217] {strides = array<i32>} : memref<40x128xf32, #tpu.memory_space<vmem>>, vector<1x16xf32>,
        %get3A_219 = vector.shape_cast %get3A_218 : vector<1x16xf32> to vector<16xf32>
        %get3A_220 = arith.index_cast %scan3A_133 : i32 to index
        %get3A_221 = arith.constant 96 : index
        %get3A_222 = tpu.vector_load %arg12[%get3A_220, %get3A_221] {strides = array<i32>} : memref<40x128xf32, #tpu.memory_space<vmem>>, vector<1x16xf32>,
        %get3A_223 = vector.shape_cast %get3A_222 : vector<1x16xf32> to vector<16xf32>
        %mul3A_224 = arith.mulf %get3A_219, %get3A_223 : vector<16xf32>
        %swap3A_225 = arith.index_cast %scan3A_133 : i32 to index
        %swap3A_226 = arith.constant 96 : index
        %swap3A_227 = tpu.vector_load %arg10[%swap3A_225, %swap3A_226] {strides = array<i32>} : memref<40x128xf32, #tpu.memory_space<vmem>>, vector<1x16xf32>,
        %swap3A_228 = vector.shape_cast %swap3A_227 : vector<1x16xf32> to vector<16xf32>
        %swap3A_229 = vector.shape_cast %mul3A_224 : vector<16xf32> to vector<1x16xf32>
        tpu.vector_store %arg10[%swap3A_225, %swap3A_226], %swap3A_229 {strides = array<i32>} : memref<40x128xf32, #tpu.memory_space<vmem>>, vector<1x16xf32>,
        %get3A_230 = arith.index_cast %scan3A_133 : i32 to index
        %get3A_231 = arith.constant 112 : index
        %get3A_232 = tpu.vector_load %arg10[%get3A_230, %get3A_231] {strides = array<i32>} : memref<40x128xf32, #tpu.memory_space<vmem>>, vector<1x16xf32>,
        %get3A_233 = vector.shape_cast %get3A_232 : vector<1x16xf32> to vector<16xf32>
        %get3A_234 = arith.index_cast %scan3A_133 : i32 to index
        %get3A_235 = arith.constant 112 : index
        %get3A_236 = tpu.vector_load %arg12[%get3A_234, %get3A_235] {strides = array<i32>} : memref<40x128xf32, #tpu.memory_space<vmem>>, vector<1x16xf32>,
        %get3A_237 = vector.shape_cast %get3A_236 : vector<1x16xf32> to vector<16xf32>
        %mul3A_238 = arith.mulf %get3A_233, %get3A_237 : vector<16xf32>
        %swap3A_239 = arith.index_cast %scan3A_133 : i32 to index
        %swap3A_240 = arith.constant 112 : index
        %swap3A_241 = tpu.vector_load %arg10[%swap3A_239, %swap3A_240] {strides = array<i32>} : memref<40x128xf32, #tpu.memory_space<vmem>>, vector<1x16xf32>,
        %swap3A_242 = vector.shape_cast %swap3A_241 : vector<1x16xf32> to vector<16xf32>
        %swap3A_243 = vector.shape_cast %mul3A_238 : vector<16xf32> to vector<1x16xf32>
        tpu.vector_store %arg10[%swap3A_239, %swap3A_240], %swap3A_243 {strides = array<i32>} : memref<40x128xf32, #tpu.memory_space<vmem>>, vector<1x16xf32>,
      }
      %scan3A_76 = arith.constant 40 : i32
      %dma_start3A_77 = arith.constant 0 : i32
      %dma_start3A_78 = tpu.memref_slice %arg9[%mul3A_54, %dma_start3A_77] : memref<250x40xi32, #tpu.memory_space<vmem>> -> memref<1x40xi32, #tpu.memory_space<vmem>>
      %dma_start3A_79 = tpu.memref_squeeze %dma_start3A_78 : memref<1x40xi32, #tpu.memory_space<vmem>> -> memref<40xi32, #tpu.memory_space<vmem>>
      %dma_start3A_80 = arith.constant 0 : i32
      %dma_start3A_81 = arith.constant 0 : i32
      %dma_start3A_82 = tpu.memref_slice %arg14[%dma_start3A_80, %dma_start3A_81] : memref<10000x128xf32, #tpu.memory_space<vmem_shared>> -> memref<10000x128xf32, #tpu.memory_space<vmem_shared>>
      tpu.enqueue_indirect_dma source(%arg10 : memref<40x128xf32, #tpu.memory_space<vmem>>) target(%dma_start3A_82 : memref<10000x128xf32, #tpu.memory_space<vmem_shared>>) offsets(%dma_start3A_79 : memref<40xi32, #tpu.memory_space<vmem>>) semaphore(%arg19 : memref<!tpu.dma_semaphore, #tpu.memory_space<semaphore_mem>>) {add = true}
      %dma_wait3A_83 = arith.constant 0 : i32
      %dma_wait3A_84 = tpu.memref_slice %arg8[%add3A_56, %dma_wait3A_83] : memref<250x40xi32, #tpu.memory_space<vmem>> -> memref<1x40xi32, #tpu.memory_space<vmem>>
      %dma_wait3A_85 = tpu.memref_squeeze %dma_wait3A_84 : memref<1x40xi32, #tpu.memory_space<vmem>> -> memref<40xi32, #tpu.memory_space<vmem>>
      %dma_wait3A_86 = arith.constant 0 : i32
      %dma_wait3A_87 = arith.constant 0 : i32
      %dma_wait3A_88 = tpu.memref_slice %arg5[%dma_wait3A_86, %dma_wait3A_87] : memref<10000x128xf32, #tpu.memory_space<hbm>> -> memref<10000x128xf32, #tpu.memory_space<hbm>>
      tpu.wait_indirect_dma semaphore(%arg16 : memref<!tpu.dma_semaphore, #tpu.memory_space<semaphore_mem>>) src(%dma_wait3A_88 : memref<10000x128xf32, #tpu.memory_space<hbm>>) dst(%arg11 : memref<40x128xf32, #tpu.memory_space<vmem>>)
      %mul3A_89 = arith.constant 250 : i32
      %mul3A_90 = arith.muli %add3A, %mul3A_89 : i32
      %add3A_91 = arith.addi %mul3A_90, %add3A_56 : i32
      %mul3A_92 = arith.constant 40 : i32
      %mul3A_93 = arith.muli %add3A_91, %mul3A_92 : i32
      %dma_wait3A_94 = arith.constant 0 : i32
      %dma_wait3A_95 = tpu.memref_slice %arg2[%mul3A_93, %dma_wait3A_94] : memref<320000x128xf32, #tpu.memory_space<hbm>> -> memref<40x128xf32, #tpu.memory_space<hbm>>
      %dma_wait3A_96 = arith.constant 0 : i32
      %dma_wait3A_97 = tpu.memref_slice %arg2[%mul3A_93, %dma_wait3A_96] : memref<320000x128xf32, #tpu.memory_space<hbm>> -> memref<40x128xf32, #tpu.memory_space<hbm>>
      tpu.wait_dma2 semaphore(%arg18 : memref<!tpu.dma_semaphore, #tpu.memory_space<semaphore_mem>>) src(%dma_wait3A_97 : memref<40x128xf32, #tpu.memory_space<hbm>>) dst(%arg13 : memref<40x128xf32, #tpu.memory_space<vmem>>)
      %scan3A_98 = arith.constant 0 : i32
      %scan3A_99 = arith.constant 0 : i32
      %scan3A_100 = arith.constant 40 : i32
      %scan3A_101 = arith.addi %scan3A_99, %scan3A_100 : i32
      %scan3A_102 = arith.constant 1 : i32
      scf.for %scan3A_133 = %scan3A_99 to %scan3A_101 step %scan3A_102  : i32 {
        %get3A = arith.index_cast %scan3A_133 : i32 to index
        %get3A_134 = arith.constant 0 : index
        %get3A_135 = tpu.vector_load %arg11[%get3A, %get3A_134] {strides = array<i32>} : memref<40x128xf32, #tpu.memory_space<vmem>>, vector<1x16xf32>,
        %get3A_136 = vector.shape_cast %get3A_135 : vector<1x16xf32> to vector<16xf32>
        %get3A_137 = arith.index_cast %scan3A_133 : i32 to index
        %get3A_138 = arith.constant 0 : index
        %get3A_139 = tpu.vector_load %arg13[%get3A_137, %get3A_138] {strides = array<i32>} : memref<40x128xf32, #tpu.memory_space<vmem>>, vector<1x16xf32>,
        %get3A_140 = vector.shape_cast %get3A_139 : vector<1x16xf32> to vector<16xf32>
        %mul3A_141 = arith.mulf %get3A_136, %get3A_140 : vector<16xf32>
        %swap3A = arith.index_cast %scan3A_133 : i32 to index
        %swap3A_142 = arith.constant 0 : index
        %swap3A_143 = tpu.vector_load %arg11[%swap3A, %swap3A_142] {strides = array<i32>} : memref<40x128xf32, #tpu.memory_space<vmem>>, vector<1x16xf32>,
        %swap3A_144 = vector.shape_cast %swap3A_143 : vector<1x16xf32> to vector<16xf32>
        %swap3A_145 = vector.shape_cast %mul3A_141 : vector<16xf32> to vector<1x16xf32>
        tpu.vector_store %arg11[%swap3A, %swap3A_142], %swap3A_145 {strides = array<i32>} : memref<40x128xf32, #tpu.memory_space<vmem>>, vector<1x16xf32>,
        %get3A_146 = arith.index_cast %scan3A_133 : i32 to index
        %get3A_147 = arith.constant 16 : index
        %get3A_148 = tpu.vector_load %arg11[%get3A_146, %get3A_147] {strides = array<i32>} : memref<40x128xf32, #tpu.memory_space<vmem>>, vector<1x16xf32>,
        %get3A_149 = vector.shape_cast %get3A_148 : vector<1x16xf32> to vector<16xf32>
        %get3A_150 = arith.index_cast %scan3A_133 : i32 to index
        %get3A_151 = arith.constant 16 : index
        %get3A_152 = tpu.vector_load %arg13[%get3A_150, %get3A_151] {strides = array<i32>} : memref<40x128xf32, #tpu.memory_space<vmem>>, vector<1x16xf32>,
        %get3A_153 = vector.shape_cast %get3A_152 : vector<1x16xf32> to vector<16xf32>
        %mul3A_154 = arith.mulf %get3A_149, %get3A_153 : vector<16xf32>
        %swap3A_155 = arith.index_cast %scan3A_133 : i32 to index
        %swap3A_156 = arith.constant 16 : index
        %swap3A_157 = tpu.vector_load %arg11[%swap3A_155, %swap3A_156] {strides = array<i32>} : memref<40x128xf32, #tpu.memory_space<vmem>>, vector<1x16xf32>,
        %swap3A_158 = vector.shape_cast %swap3A_157 : vector<1x16xf32> to vector<16xf32>
        %swap3A_159 = vector.shape_cast %mul3A_154 : vector<16xf32> to vector<1x16xf32>
        tpu.vector_store %arg11[%swap3A_155, %swap3A_156], %swap3A_159 {strides = array<i32>} : memref<40x128xf32, #tpu.memory_space<vmem>>, vector<1x16xf32>,
        %get3A_160 = arith.index_cast %scan3A_133 : i32 to index
        %get3A_161 = arith.constant 32 : index
        %get3A_162 = tpu.vector_load %arg11[%get3A_160, %get3A_161] {strides = array<i32>} : memref<40x128xf32, #tpu.memory_space<vmem>>, vector<1x16xf32>,
        %get3A_163 = vector.shape_cast %get3A_162 : vector<1x16xf32> to vector<16xf32>
        %get3A_164 = arith.index_cast %scan3A_133 : i32 to index
        %get3A_165 = arith.constant 32 : index
        %get3A_166 = tpu.vector_load %arg13[%get3A_164, %get3A_165] {strides = array<i32>} : memref<40x128xf32, #tpu.memory_space<vmem>>, vector<1x16xf32>,
        %get3A_167 = vector.shape_cast %get3A_166 : vector<1x16xf32> to vector<16xf32>
        %mul3A_168 = arith.mulf %get3A_163, %get3A_167 : vector<16xf32>
        %swap3A_169 = arith.index_cast %scan3A_133 : i32 to index
        %swap3A_170 = arith.constant 32 : index
        %swap3A_171 = tpu.vector_load %arg11[%swap3A_169, %swap3A_170] {strides = array<i32>} : memref<40x128xf32, #tpu.memory_space<vmem>>, vector<1x16xf32>,
        %swap3A_172 = vector.shape_cast %swap3A_171 : vector<1x16xf32> to vector<16xf32>
        %swap3A_173 = vector.shape_cast %mul3A_168 : vector<16xf32> to vector<1x16xf32>
        tpu.vector_store %arg11[%swap3A_169, %swap3A_170], %swap3A_173 {strides = array<i32>} : memref<40x128xf32, #tpu.memory_space<vmem>>, vector<1x16xf32>,
        %get3A_174 = arith.index_cast %scan3A_133 : i32 to index
        %get3A_175 = arith.constant 48 : index
        %get3A_176 = tpu.vector_load %arg11[%get3A_174, %get3A_175] {strides = array<i32>} : memref<40x128xf32, #tpu.memory_space<vmem>>, vector<1x16xf32>,
        %get3A_177 = vector.shape_cast %get3A_176 : vector<1x16xf32> to vector<16xf32>
        %get3A_178 = arith.index_cast %scan3A_133 : i32 to index
        %get3A_179 = arith.constant 48 : index
        %get3A_180 = tpu.vector_load %arg13[%get3A_178, %get3A_179] {strides = array<i32>} : memref<40x128xf32, #tpu.memory_space<vmem>>, vector<1x16xf32>,
        %get3A_181 = vector.shape_cast %get3A_180 : vector<1x16xf32> to vector<16xf32>
        %mul3A_182 = arith.mulf %get3A_177, %get3A_181 : vector<16xf32>
        %swap3A_183 = arith.index_cast %scan3A_133 : i32 to index
        %swap3A_184 = arith.constant 48 : index
        %swap3A_185 = tpu.vector_load %arg11[%swap3A_183, %swap3A_184] {strides = array<i32>} : memref<40x128xf32, #tpu.memory_space<vmem>>, vector<1x16xf32>,
        %swap3A_186 = vector.shape_cast %swap3A_185 : vector<1x16xf32> to vector<16xf32>
        %swap3A_187 = vector.shape_cast %mul3A_182 : vector<16xf32> to vector<1x16xf32>
        tpu.vector_store %arg11[%swap3A_183, %swap3A_184], %swap3A_187 {strides = array<i32>} : memref<40x128xf32, #tpu.memory_space<vmem>>, vector<1x16xf32>,
        %get3A_188 = arith.index_cast %scan3A_133 : i32 to index
        %get3A_189 = arith.constant 64 : index
        %get3A_190 = tpu.vector_load %arg11[%get3A_188, %get3A_189] {strides = array<i32>} : memref<40x128xf32, #tpu.memory_space<vmem>>, vector<1x16xf32>,
        %get3A_191 = vector.shape_cast %get3A_190 : vector<1x16xf32> to vector<16xf32>
        %get3A_192 = arith.index_cast %scan3A_133 : i32 to index
        %get3A_193 = arith.constant 64 : index
        %get3A_194 = tpu.vector_load %arg13[%get3A_192, %get3A_193] {strides = array<i32>} : memref<40x128xf32, #tpu.memory_space<vmem>>, vector<1x16xf32>,
        %get3A_195 = vector.shape_cast %get3A_194 : vector<1x16xf32> to vector<16xf32>
        %mul3A_196 = arith.mulf %get3A_191, %get3A_195 : vector<16xf32>
        %swap3A_197 = arith.index_cast %scan3A_133 : i32 to index
        %swap3A_198 = arith.constant 64 : index
        %swap3A_199 = tpu.vector_load %arg11[%swap3A_197, %swap3A_198] {strides = array<i32>} : memref<40x128xf32, #tpu.memory_space<vmem>>, vector<1x16xf32>,
        %swap3A_200 = vector.shape_cast %swap3A_199 : vector<1x16xf32> to vector<16xf32>
        %swap3A_201 = vector.shape_cast %mul3A_196 : vector<16xf32> to vector<1x16xf32>
        tpu.vector_store %arg11[%swap3A_197, %swap3A_198], %swap3A_201 {strides = array<i32>} : memref<40x128xf32, #tpu.memory_space<vmem>>, vector<1x16xf32>,
        %get3A_202 = arith.index_cast %scan3A_133 : i32 to index
        %get3A_203 = arith.constant 80 : index
        %get3A_204 = tpu.vector_load %arg11[%get3A_202, %get3A_203] {strides = array<i32>} : memref<40x128xf32, #tpu.memory_space<vmem>>, vector<1x16xf32>,
        %get3A_205 = vector.shape_cast %get3A_204 : vector<1x16xf32> to vector<16xf32>
        %get3A_206 = arith.index_cast %scan3A_133 : i32 to index
        %get3A_207 = arith.constant 80 : index
        %get3A_208 = tpu.vector_load %arg13[%get3A_206, %get3A_207] {strides = array<i32>} : memref<40x128xf32, #tpu.memory_space<vmem>>, vector<1x16xf32>,
        %get3A_209 = vector.shape_cast %get3A_208 : vector<1x16xf32> to vector<16xf32>
        %mul3A_210 = arith.mulf %get3A_205, %get3A_209 : vector<16xf32>
        %swap3A_211 = arith.index_cast %scan3A_133 : i32 to index
        %swap3A_212 = arith.constant 80 : index
        %swap3A_213 = tpu.vector_load %arg11[%swap3A_211, %swap3A_212] {strides = array<i32>} : memref<40x128xf32, #tpu.memory_space<vmem>>, vector<1x16xf32>,
        %swap3A_214 = vector.shape_cast %swap3A_213 : vector<1x16xf32> to vector<16xf32>
        %swap3A_215 = vector.shape_cast %mul3A_210 : vector<16xf32> to vector<1x16xf32>
        tpu.vector_store %arg11[%swap3A_211, %swap3A_212], %swap3A_215 {strides = array<i32>} : memref<40x128xf32, #tpu.memory_space<vmem>>, vector<1x16xf32>,
        %get3A_216 = arith.index_cast %scan3A_133 : i32 to index
        %get3A_217 = arith.constant 96 : index
        %get3A_218 = tpu.vector_load %arg11[%get3A_216, %get3A_217] {strides = array<i32>} : memref<40x128xf32, #tpu.memory_space<vmem>>, vector<1x16xf32>,
        %get3A_219 = vector.shape_cast %get3A_218 : vector<1x16xf32> to vector<16xf32>
        %get3A_220 = arith.index_cast %scan3A_133 : i32 to index
        %get3A_221 = arith.constant 96 : index
        %get3A_222 = tpu.vector_load %arg13[%get3A_220, %get3A_221] {strides = array<i32>} : memref<40x128xf32, #tpu.memory_space<vmem>>, vector<1x16xf32>,
        %get3A_223 = vector.shape_cast %get3A_222 : vector<1x16xf32> to vector<16xf32>
        %mul3A_224 = arith.mulf %get3A_219, %get3A_223 : vector<16xf32>
        %swap3A_225 = arith.index_cast %scan3A_133 : i32 to index
        %swap3A_226 = arith.constant 96 : index
        %swap3A_227 = tpu.vector_load %arg11[%swap3A_225, %swap3A_226] {strides = array<i32>} : memref<40x128xf32, #tpu.memory_space<vmem>>, vector<1x16xf32>,
        %swap3A_228 = vector.shape_cast %swap3A_227 : vector<1x16xf32> to vector<16xf32>
        %swap3A_229 = vector.shape_cast %mul3A_224 : vector<16xf32> to vector<1x16xf32>
        tpu.vector_store %arg11[%swap3A_225, %swap3A_226], %swap3A_229 {strides = array<i32>} : memref<40x128xf32, #tpu.memory_space<vmem>>, vector<1x16xf32>,
        %get3A_230 = arith.index_cast %scan3A_133 : i32 to index
        %get3A_231 = arith.constant 112 : index
        %get3A_232 = tpu.vector_load %arg11[%get3A_230, %get3A_231] {strides = array<i32>} : memref<40x128xf32, #tpu.memory_space<vmem>>, vector<1x16xf32>,
        %get3A_233 = vector.shape_cast %get3A_232 : vector<1x16xf32> to vector<16xf32>
        %get3A_234 = arith.index_cast %scan3A_133 : i32 to index
        %get3A_235 = arith.constant 112 : index
        %get3A_236 = tpu.vector_load %arg13[%get3A_234, %get3A_235] {strides = array<i32>} : memref<40x128xf32, #tpu.memory_space<vmem>>, vector<1x16xf32>,
        %get3A_237 = vector.shape_cast %get3A_236 : vector<1x16xf32> to vector<16xf32>
        %mul3A_238 = arith.mulf %get3A_233, %get3A_237 : vector<16xf32>
        %swap3A_239 = arith.index_cast %scan3A_133 : i32 to index
        %swap3A_240 = arith.constant 112 : index
        %swap3A_241 = tpu.vector_load %arg11[%swap3A_239, %swap3A_240] {strides = array<i32>} : memref<40x128xf32, #tpu.memory_space<vmem>>, vector<1x16xf32>,
        %swap3A_242 = vector.shape_cast %swap3A_241 : vector<1x16xf32> to vector<16xf32>
        %swap3A_243 = vector.shape_cast %mul3A_238 : vector<16xf32> to vector<1x16xf32>
        tpu.vector_store %arg11[%swap3A_239, %swap3A_240], %swap3A_243 {strides = array<i32>} : memref<40x128xf32, #tpu.memory_space<vmem>>, vector<1x16xf32>,
      }
      %scan3A_103 = arith.constant 40 : i32
      %dma_start3A_104 = arith.constant 0 : i32
      %dma_start3A_105 = tpu.memref_slice %arg9[%add3A_56, %dma_start3A_104] : memref<250x40xi32, #tpu.memory_space<vmem>> -> memref<1x40xi32, #tpu.memory_space<vmem>>
      %dma_start3A_106 = tpu.memref_squeeze %dma_start3A_105 : memref<1x40xi32, #tpu.memory_space<vmem>> -> memref<40xi32, #tpu.memory_space<vmem>>
      %dma_start3A_107 = arith.constant 0 : i32
      %dma_start3A_108 = arith.constant 0 : i32
      %dma_start3A_109 = tpu.memref_slice %arg14[%dma_start3A_107, %dma_start3A_108] : memref<10000x128xf32, #tpu.memory_space<vmem_shared>> -> memref<10000x128xf32, #tpu.memory_space<vmem_shared>>
      tpu.enqueue_indirect_dma source(%arg11 : memref<40x128xf32, #tpu.memory_space<vmem>>) target(%dma_start3A_109 : memref<10000x128xf32, #tpu.memory_space<vmem_shared>>) offsets(%dma_start3A_106 : memref<40xi32, #tpu.memory_space<vmem>>) semaphore(%arg20 : memref<!tpu.dma_semaphore, #tpu.memory_space<semaphore_mem>>) {add = true}
      %dma_wait3A_110 = arith.constant 0 : i32
      %dma_wait3A_111 = tpu.memref_slice %arg9[%mul3A_54, %dma_wait3A_110] : memref<250x40xi32, #tpu.memory_space<vmem>> -> memref<1x40xi32, #tpu.memory_space<vmem>>
      %dma_wait3A_112 = tpu.memref_squeeze %dma_wait3A_111 : memref<1x40xi32, #tpu.memory_space<vmem>> -> memref<40xi32, #tpu.memory_space<vmem>>
      %dma_wait3A_113 = arith.constant 0 : i32
      %dma_wait3A_114 = arith.constant 0 : i32
      %dma_wait3A_115 = tpu.memref_slice %arg14[%dma_wait3A_113, %dma_wait3A_114] : memref<10000x128xf32, #tpu.memory_space<vmem_shared>> -> memref<10000x128xf32, #tpu.memory_space<vmem_shared>>
      tpu.wait_indirect_dma semaphore(%arg19 : memref<!tpu.dma_semaphore, #tpu.memory_space<semaphore_mem>>) src(%arg10 : memref<40x128xf32, #tpu.memory_space<vmem>>) dst(%dma_wait3A_115 : memref<10000x128xf32, #tpu.memory_space<vmem_shared>>)
      %add3A_116 = arith.constant 2 : i32
      %add3A_117 = arith.addi %mul3A_54, %add3A_116 : i32
      %lt3A = arith.constant 250 : i32
      %lt3A_118 = arith.cmpi slt, %add3A_117, %lt3A : i32
      %convert_element_type3A = arith.extui %lt3A_118 : i1 to i32
      %cond3A = arith.constant 0 : i32
      %cond3A_119 = arith.cmpi ne, %convert_element_type3A, %cond3A : i32
      scf.if %cond3A_119 {
        %add3A_133 = arith.constant 2 : i32
        %add3A_134 = arith.addi %mul3A_54, %add3A_133 : i32
        %dma_start3A_135 = arith.constant 0 : i32
        %dma_start3A_136 = tpu.memref_slice %arg8[%add3A_134, %dma_start3A_135] : memref<250x40xi32, #tpu.memory_space<vmem>> -> memref<1x40xi32, #tpu.memory_space<vmem>>
        %dma_start3A_137 = tpu.memref_squeeze %dma_start3A_136 : memref<1x40xi32, #tpu.memory_space<vmem>> -> memref<40xi32, #tpu.memory_space<vmem>>
        %dma_start3A_138 = arith.constant 0 : i32
        %dma_start3A_139 = arith.constant 0 : i32
        %dma_start3A_140 = tpu.memref_slice %arg5[%dma_start3A_138, %dma_start3A_139] : memref<10000x128xf32, #tpu.memory_space<hbm>> -> memref<10000x128xf32, #tpu.memory_space<hbm>>
        tpu.enqueue_indirect_dma source(%dma_start3A_140 : memref<10000x128xf32, #tpu.memory_space<hbm>>) target(%arg10 : memref<40x128xf32, #tpu.memory_space<vmem>>) offsets(%dma_start3A_137 : memref<40xi32, #tpu.memory_space<vmem>>) semaphore(%arg15 : memref<!tpu.dma_semaphore, #tpu.memory_space<semaphore_mem>>)
        %mul3A_141 = arith.constant 250 : i32
        %mul3A_142 = arith.muli %add3A, %mul3A_141 : i32
        %add3A_143 = arith.addi %mul3A_142, %add3A_134 : i32
        %mul3A_144 = arith.constant 40 : i32
        %mul3A_145 = arith.muli %add3A_143, %mul3A_144 : i32
        %dma_start3A_146 = arith.constant 0 : i32
        %dma_start3A_147 = tpu.memref_slice %arg2[%mul3A_145, %dma_start3A_146] : memref<320000x128xf32, #tpu.memory_space<hbm>> -> memref<40x128xf32, #tpu.memory_space<hbm>>
        %dma_start3A_148 = arith.constant 0 : i32
        %dma_start3A_149 = tpu.memref_slice %arg2[%mul3A_145, %dma_start3A_148] : memref<320000x128xf32, #tpu.memory_space<hbm>> -> memref<40x128xf32, #tpu.memory_space<hbm>>
        tpu.enqueue_dma source(%dma_start3A_149 : memref<40x128xf32, #tpu.memory_space<hbm>>) target(%arg12 : memref<40x128xf32, #tpu.memory_space<vmem>>) target_semaphore(%arg17 : memref<!tpu.dma_semaphore, #tpu.memory_space<semaphore_mem>>)
      } else {
      }
      %dma_wait3A_120 = arith.constant 0 : i32
      %dma_wait3A_121 = tpu.memref_slice %arg9[%add3A_56, %dma_wait3A_120] : memref<250x40xi32, #tpu.memory_space<vmem>> -> memref<1x40xi32, #tpu.memory_space<vmem>>
      %dma_wait3A_122 = tpu.memref_squeeze %dma_wait3A_121 : memref<1x40xi32, #tpu.memory_space<vmem>> -> memref<40xi32, #tpu.memory_space<vmem>>
      %dma_wait3A_123 = arith.constant 0 : i32
      %dma_wait3A_124 = arith.constant 0 : i32
      %dma_wait3A_125 = tpu.memref_slice %arg14[%dma_wait3A_123, %dma_wait3A_124] : memref<10000x128xf32, #tpu.memory_space<vmem_shared>> -> memref<10000x128xf32, #tpu.memory_space<vmem_shared>>
      tpu.wait_indirect_dma semaphore(%arg20 : memref<!tpu.dma_semaphore, #tpu.memory_space<semaphore_mem>>) src(%arg11 : memref<40x128xf32, #tpu.memory_space<vmem>>) dst(%dma_wait3A_125 : memref<10000x128xf32, #tpu.memory_space<vmem_shared>>)
      %add3A_126 = arith.constant 2 : i32
      %add3A_127 = arith.addi %add3A_56, %add3A_126 : i32
      %lt3A_128 = arith.constant 250 : i32
      %lt3A_129 = arith.cmpi slt, %add3A_127, %lt3A_128 : i32
      %convert_element_type3A_130 = arith.extui %lt3A_129 : i1 to i32
      %cond3A_131 = arith.constant 0 : i32
      %cond3A_132 = arith.cmpi ne, %convert_element_type3A_130, %cond3A_131 : i32
      scf.if %cond3A_132 {
        %add3A_133 = arith.constant 2 : i32
        %add3A_134 = arith.addi %add3A_56, %add3A_133 : i32
        %dma_start3A_135 = arith.constant 0 : i32
        %dma_start3A_136 = tpu.memref_slice %arg8[%add3A_134, %dma_start3A_135] : memref<250x40xi32, #tpu.memory_space<vmem>> -> memref<1x40xi32, #tpu.memory_space<vmem>>
        %dma_start3A_137 = tpu.memref_squeeze %dma_start3A_136 : memref<1x40xi32, #tpu.memory_space<vmem>> -> memref<40xi32, #tpu.memory_space<vmem>>
        %dma_start3A_138 = arith.constant 0 : i32
        %dma_start3A_139 = arith.constant 0 : i32
        %dma_start3A_140 = tpu.memref_slice %arg5[%dma_start3A_138, %dma_start3A_139] : memref<10000x128xf32, #tpu.memory_space<hbm>> -> memref<10000x128xf32, #tpu.memory_space<hbm>>
        tpu.enqueue_indirect_dma source(%dma_start3A_140 : memref<10000x128xf32, #tpu.memory_space<hbm>>) target(%arg11 : memref<40x128xf32, #tpu.memory_space<vmem>>) offsets(%dma_start3A_137 : memref<40xi32, #tpu.memory_space<vmem>>) semaphore(%arg16 : memref<!tpu.dma_semaphore, #tpu.memory_space<semaphore_mem>>)
        %mul3A_141 = arith.constant 250 : i32
        %mul3A_142 = arith.muli %add3A, %mul3A_141 : i32
        %add3A_143 = arith.addi %mul3A_142, %add3A_134 : i32
        %mul3A_144 = arith.constant 40 : i32
        %mul3A_145 = arith.muli %add3A_143, %mul3A_144 : i32
        %dma_start3A_146 = arith.constant 0 : i32
        %dma_start3A_147 = tpu.memref_slice %arg2[%mul3A_145, %dma_start3A_146] : memref<320000x128xf32, #tpu.memory_space<hbm>> -> memref<40x128xf32, #tpu.memory_space<hbm>>
        %dma_start3A_148 = arith.constant 0 : i32
        %dma_start3A_149 = tpu.memref_slice %arg2[%mul3A_145, %dma_start3A_148] : memref<320000x128xf32, #tpu.memory_space<hbm>> -> memref<40x128xf32, #tpu.memory_space<hbm>>
        tpu.enqueue_dma source(%dma_start3A_149 : memref<40x128xf32, #tpu.memory_space<hbm>>) target(%arg13 : memref<40x128xf32, #tpu.memory_space<vmem>>) target_semaphore(%arg18 : memref<!tpu.dma_semaphore, #tpu.memory_space<semaphore_mem>>)
      } else {
      }
    }
    %scan3A_46 = arith.constant 125 : i32
    %barrier3A_47 = arith.constant 0 : index
    tpu.barrier barrier_id(%barrier3A_47)
    %mul3A_48 = arith.constant 625 : i32
    %mul3A_49 = arith.muli %arg1, %mul3A_48 : i32
    %mul3A_50 = arith.constant 625 : i32
    %mul3A_51 = arith.muli %arg1, %mul3A_50 : i32
    "tpu.region"() ({
      %run_scoped3A = tpu.sem_alloc : memref<!tpu.dma_semaphore, #tpu.memory_space<semaphore_mem>>
      %dma_start3A_52 = arith.constant 0 : i32
      %dma_start3A_53 = tpu.memref_slice %arg7[%arg0, %mul3A_51, %dma_start3A_52] : memref<2x10000x128xf32, #tpu.memory_space<hbm>> -> memref<1x625x128xf32, #tpu.memory_space<hbm>>
      %dma_start3A_54 = tpu.memref_squeeze %dma_start3A_53 : memref<1x625x128xf32, #tpu.memory_space<hbm>> -> memref<625x128xf32, #tpu.memory_space<hbm>>
      %dma_start3A_55 = arith.constant 0 : i32
      %dma_start3A_56 = tpu.memref_slice %arg14[%mul3A_49, %dma_start3A_55] : memref<10000x128xf32, #tpu.memory_space<vmem_shared>> -> memref<625x128xf32, #tpu.memory_space<vmem_shared>>
      tpu.enqueue_dma source(%dma_start3A_56 : memref<625x128xf32, #tpu.memory_space<vmem_shared>>) target(%dma_start3A_54 : memref<625x128xf32, #tpu.memory_space<hbm>>) target_semaphore(%run_scoped3A : memref<!tpu.dma_semaphore, #tpu.memory_space<semaphore_mem>>)
      %dma_wait3A = arith.constant 0 : i32
      %dma_wait3A_57 = tpu.memref_slice %arg7[%arg0, %mul3A_51, %dma_wait3A] : memref<2x10000x128xf32, #tpu.memory_space<hbm>> -> memref<1x625x128xf32, #tpu.memory_space<hbm>>
      %dma_wait3A_58 = tpu.memref_squeeze %dma_wait3A_57 : memref<1x625x128xf32, #tpu.memory_space<hbm>> -> memref<625x128xf32, #tpu.memory_space<hbm>>
      %dma_wait3A_59 = arith.constant 0 : i32
      %dma_wait3A_60 = tpu.memref_slice %arg14[%mul3A_49, %dma_wait3A_59] : memref<10000x128xf32, #tpu.memory_space<vmem_shared>> -> memref<625x128xf32, #tpu.memory_space<vmem_shared>>
      tpu.wait_dma2 semaphore(%run_scoped3A : memref<!tpu.dma_semaphore, #tpu.memory_space<semaphore_mem>>) src(%dma_wait3A_60 : memref<625x128xf32, #tpu.memory_space<vmem_shared>>) dst(%dma_wait3A_58 : memref<625x128xf32, #tpu.memory_space<hbm>>)
      tpu.yield
    }) : () -> ()
    return
  }
}

#map = affine_map<(d0, d1) -> (0, 0)>
#map1 = affine_map<(d0, d1) -> (0, 0, 0)>
module attributes {stable_mosaic.version = 14 : i64} {
  func.func @_sc_tri_body(%arg0: i32, %arg1: i32, %arg2: memref<655360x128xf32, #tpu.memory_space<hbm>>, %arg3: memref<10240x64xi32, #tpu.memory_space<hbm>>, %arg4: memref<10000x128xf32, #tpu.memory_space<hbm>>, %arg5: memref<2x10000x128xf32, #tpu.memory_space<hbm>>, %arg6: memref<320x64xi32, #tpu.memory_space<vmem>>, %arg7: memref<64x128xf32, #tpu.memory_space<vmem>>, %arg8: memref<64x128xf32, #tpu.memory_space<vmem>>, %arg9: memref<10000x128xf32, #tpu.memory_space<vmem_shared>>, %arg10: memref<!tpu.dma_semaphore, #tpu.memory_space<semaphore_mem>>, %arg11: memref<!tpu.dma_semaphore, #tpu.memory_space<semaphore_mem>>, %arg12: memref<!tpu.dma_semaphore, #tpu.memory_space<semaphore_mem>>, %arg13: memref<!tpu.dma_semaphore, #tpu.memory_space<semaphore_mem>>) attributes {dimension_semantics = [#tpu.dimension_semantics<core_parallel>, #tpu.dimension_semantics<subcore_parallel>], iteration_bounds = array<i64: 2, 16>, scalar_prefetch = 0 : i64, scratch_operands = 8 : i64, tpu.core_type = #tpu.core_type<sc_vector_subcore>, window_params = [{transform_indices = #map}, {transform_indices = #map}, {transform_indices = #map}, {transform_indices = #map1}]} {
    %mul3A = arith.constant 2 : i32
    %mul3A_0 = arith.muli %arg1, %mul3A : i32
    %add3A = arith.addi %mul3A_0, %arg0 : i32
    %mul3A_1 = arith.constant 625 : i32
    %mul3A_2 = arith.muli %arg1, %mul3A_1 : i32
    %mul3A_3 = arith.constant 625 : i32
    %mul3A_4 = arith.muli %arg1, %mul3A_3 : i32
    "tpu.region"() ({
      %run_scoped3A = tpu.sem_alloc : memref<!tpu.dma_semaphore, #tpu.memory_space<semaphore_mem>>
      %dma_start3A_36 = arith.constant 0 : i32
      %dma_start3A_37 = tpu.memref_slice %arg9[%mul3A_4, %dma_start3A_36] : memref<10000x128xf32, #tpu.memory_space<vmem_shared>> -> memref<625x128xf32, #tpu.memory_space<vmem_shared>>
      %dma_start3A_38 = arith.constant 0 : i32
      %dma_start3A_39 = tpu.memref_slice %arg4[%mul3A_2, %dma_start3A_38] : memref<10000x128xf32, #tpu.memory_space<hbm>> -> memref<625x128xf32, #tpu.memory_space<hbm>>
      tpu.enqueue_dma source(%dma_start3A_39 : memref<625x128xf32, #tpu.memory_space<hbm>>) target(%dma_start3A_37 : memref<625x128xf32, #tpu.memory_space<vmem_shared>>) target_semaphore(%run_scoped3A : memref<!tpu.dma_semaphore, #tpu.memory_space<semaphore_mem>>)
      %dma_wait3A = arith.constant 0 : i32
      %dma_wait3A_40 = tpu.memref_slice %arg9[%mul3A_4, %dma_wait3A] : memref<10000x128xf32, #tpu.memory_space<vmem_shared>> -> memref<625x128xf32, #tpu.memory_space<vmem_shared>>
      %dma_wait3A_41 = arith.constant 0 : i32
      %dma_wait3A_42 = tpu.memref_slice %arg4[%mul3A_2, %dma_wait3A_41] : memref<10000x128xf32, #tpu.memory_space<hbm>> -> memref<625x128xf32, #tpu.memory_space<hbm>>
      tpu.wait_dma2 semaphore(%run_scoped3A : memref<!tpu.dma_semaphore, #tpu.memory_space<semaphore_mem>>) src(%dma_wait3A_42 : memref<625x128xf32, #tpu.memory_space<hbm>>) dst(%dma_wait3A_40 : memref<625x128xf32, #tpu.memory_space<vmem_shared>>)
      tpu.yield
    }) : () -> ()
    %barrier3A = arith.constant 0 : index
    tpu.barrier barrier_id(%barrier3A)
    %mul3A_5 = arith.constant 320 : i32
    %mul3A_6 = arith.muli %add3A, %mul3A_5 : i32
    "tpu.region"() ({
      %run_scoped3A = tpu.sem_alloc : memref<!tpu.dma_semaphore, #tpu.memory_space<semaphore_mem>>
      %dma_start3A_36 = arith.constant 0 : i32
      %dma_start3A_37 = tpu.memref_slice %arg3[%mul3A_6, %dma_start3A_36] : memref<10240x64xi32, #tpu.memory_space<hbm>> -> memref<320x64xi32, #tpu.memory_space<hbm>>
      %dma_start3A_38 = arith.constant 0 : i32
      %dma_start3A_39 = tpu.memref_slice %arg3[%mul3A_6, %dma_start3A_38] : memref<10240x64xi32, #tpu.memory_space<hbm>> -> memref<320x64xi32, #tpu.memory_space<hbm>>
      tpu.enqueue_dma source(%dma_start3A_39 : memref<320x64xi32, #tpu.memory_space<hbm>>) target(%arg6 : memref<320x64xi32, #tpu.memory_space<vmem>>) target_semaphore(%run_scoped3A : memref<!tpu.dma_semaphore, #tpu.memory_space<semaphore_mem>>)
      %dma_wait3A = arith.constant 0 : i32
      %dma_wait3A_40 = tpu.memref_slice %arg3[%mul3A_6, %dma_wait3A] : memref<10240x64xi32, #tpu.memory_space<hbm>> -> memref<320x64xi32, #tpu.memory_space<hbm>>
      %dma_wait3A_41 = arith.constant 0 : i32
      %dma_wait3A_42 = tpu.memref_slice %arg3[%mul3A_6, %dma_wait3A_41] : memref<10240x64xi32, #tpu.memory_space<hbm>> -> memref<320x64xi32, #tpu.memory_space<hbm>>
      tpu.wait_dma2 semaphore(%run_scoped3A : memref<!tpu.dma_semaphore, #tpu.memory_space<semaphore_mem>>) src(%dma_wait3A_42 : memref<320x64xi32, #tpu.memory_space<hbm>>) dst(%arg6 : memref<320x64xi32, #tpu.memory_space<vmem>>)
      tpu.yield
    }) : () -> ()
    %mul3A_7 = arith.constant 320 : i32
    %mul3A_8 = arith.muli %add3A, %mul3A_7 : i32
    %add3A_9 = arith.constant 0 : i32
    %add3A_10 = arith.addi %mul3A_8, %add3A_9 : i32
    %mul3A_11 = arith.constant 64 : i32
    %mul3A_12 = arith.muli %add3A_10, %mul3A_11 : i32
    %dma_start3A = arith.constant 0 : i32
    %dma_start3A_13 = tpu.memref_slice %arg2[%mul3A_12, %dma_start3A] : memref<655360x128xf32, #tpu.memory_space<hbm>> -> memref<64x128xf32, #tpu.memory_space<hbm>>
    %dma_start3A_14 = arith.constant 0 : i32
    %dma_start3A_15 = tpu.memref_slice %arg2[%mul3A_12, %dma_start3A_14] : memref<655360x128xf32, #tpu.memory_space<hbm>> -> memref<64x128xf32, #tpu.memory_space<hbm>>
    tpu.enqueue_dma source(%dma_start3A_15 : memref<64x128xf32, #tpu.memory_space<hbm>>) target(%arg7 : memref<64x128xf32, #tpu.memory_space<vmem>>) target_semaphore(%arg10 : memref<!tpu.dma_semaphore, #tpu.memory_space<semaphore_mem>>)
    %mul3A_16 = arith.constant 320 : i32
    %mul3A_17 = arith.muli %add3A, %mul3A_16 : i32
    %add3A_18 = arith.constant 1 : i32
    %add3A_19 = arith.addi %mul3A_17, %add3A_18 : i32
    %mul3A_20 = arith.constant 64 : i32
    %mul3A_21 = arith.muli %add3A_19, %mul3A_20 : i32
    %dma_start3A_22 = arith.constant 0 : i32
    %dma_start3A_23 = tpu.memref_slice %arg2[%mul3A_21, %dma_start3A_22] : memref<655360x128xf32, #tpu.memory_space<hbm>> -> memref<64x128xf32, #tpu.memory_space<hbm>>
    %dma_start3A_24 = arith.constant 0 : i32
    %dma_start3A_25 = tpu.memref_slice %arg2[%mul3A_21, %dma_start3A_24] : memref<655360x128xf32, #tpu.memory_space<hbm>> -> memref<64x128xf32, #tpu.memory_space<hbm>>
    tpu.enqueue_dma source(%dma_start3A_25 : memref<64x128xf32, #tpu.memory_space<hbm>>) target(%arg8 : memref<64x128xf32, #tpu.memory_space<vmem>>) target_semaphore(%arg11 : memref<!tpu.dma_semaphore, #tpu.memory_space<semaphore_mem>>)
    %scan3A = arith.constant 0 : i32
    %scan3A_26 = arith.constant 0 : i32
    %scan3A_27 = arith.constant 160 : i32
    %scan3A_28 = arith.addi %scan3A_26, %scan3A_27 : i32
    %scan3A_29 = arith.constant 1 : i32
    scf.for %scan3A_36 = %scan3A_26 to %scan3A_28 step %scan3A_29  : i32 {
      %mul3A_37 = arith.constant 2 : i32
      %mul3A_38 = arith.muli %mul3A_37, %scan3A_36 : i32
      %add3A_39 = arith.constant 1 : i32
      %add3A_40 = arith.addi %mul3A_38, %add3A_39 : i32
      %mul3A_41 = arith.constant 320 : i32
      %mul3A_42 = arith.muli %add3A, %mul3A_41 : i32
      %add3A_43 = arith.addi %mul3A_42, %mul3A_38 : i32
      %mul3A_44 = arith.constant 64 : i32
      %mul3A_45 = arith.muli %add3A_43, %mul3A_44 : i32
      %dma_wait3A = arith.constant 0 : i32
      %dma_wait3A_46 = tpu.memref_slice %arg2[%mul3A_45, %dma_wait3A] : memref<655360x128xf32, #tpu.memory_space<hbm>> -> memref<64x128xf32, #tpu.memory_space<hbm>>
      %dma_wait3A_47 = arith.constant 0 : i32
      %dma_wait3A_48 = tpu.memref_slice %arg2[%mul3A_45, %dma_wait3A_47] : memref<655360x128xf32, #tpu.memory_space<hbm>> -> memref<64x128xf32, #tpu.memory_space<hbm>>
      tpu.wait_dma2 semaphore(%arg10 : memref<!tpu.dma_semaphore, #tpu.memory_space<semaphore_mem>>) src(%dma_wait3A_48 : memref<64x128xf32, #tpu.memory_space<hbm>>) dst(%arg7 : memref<64x128xf32, #tpu.memory_space<vmem>>)
      %dma_start3A_49 = arith.constant 0 : i32
      %dma_start3A_50 = tpu.memref_slice %arg6[%mul3A_38, %dma_start3A_49] : memref<320x64xi32, #tpu.memory_space<vmem>> -> memref<1x64xi32, #tpu.memory_space<vmem>>
      %dma_start3A_51 = tpu.memref_squeeze %dma_start3A_50 : memref<1x64xi32, #tpu.memory_space<vmem>> -> memref<64xi32, #tpu.memory_space<vmem>>
      %dma_start3A_52 = arith.constant 0 : i32
      %dma_start3A_53 = arith.constant 0 : i32
      %dma_start3A_54 = tpu.memref_slice %arg9[%dma_start3A_52, %dma_start3A_53] : memref<10000x128xf32, #tpu.memory_space<vmem_shared>> -> memref<10000x128xf32, #tpu.memory_space<vmem_shared>>
      tpu.enqueue_indirect_dma source(%arg7 : memref<64x128xf32, #tpu.memory_space<vmem>>) target(%dma_start3A_54 : memref<10000x128xf32, #tpu.memory_space<vmem_shared>>) offsets(%dma_start3A_51 : memref<64xi32, #tpu.memory_space<vmem>>) semaphore(%arg12 : memref<!tpu.dma_semaphore, #tpu.memory_space<semaphore_mem>>) {add = true}
      %mul3A_55 = arith.constant 320 : i32
      %mul3A_56 = arith.muli %add3A, %mul3A_55 : i32
      %add3A_57 = arith.addi %mul3A_56, %add3A_40 : i32
      %mul3A_58 = arith.constant 64 : i32
      %mul3A_59 = arith.muli %add3A_57, %mul3A_58 : i32
      %dma_wait3A_60 = arith.constant 0 : i32
      %dma_wait3A_61 = tpu.memref_slice %arg2[%mul3A_59, %dma_wait3A_60] : memref<655360x128xf32, #tpu.memory_space<hbm>> -> memref<64x128xf32, #tpu.memory_space<hbm>>
      %dma_wait3A_62 = arith.constant 0 : i32
      %dma_wait3A_63 = tpu.memref_slice %arg2[%mul3A_59, %dma_wait3A_62] : memref<655360x128xf32, #tpu.memory_space<hbm>> -> memref<64x128xf32, #tpu.memory_space<hbm>>
      tpu.wait_dma2 semaphore(%arg11 : memref<!tpu.dma_semaphore, #tpu.memory_space<semaphore_mem>>) src(%dma_wait3A_63 : memref<64x128xf32, #tpu.memory_space<hbm>>) dst(%arg8 : memref<64x128xf32, #tpu.memory_space<vmem>>)
      %dma_start3A_64 = arith.constant 0 : i32
      %dma_start3A_65 = tpu.memref_slice %arg6[%add3A_40, %dma_start3A_64] : memref<320x64xi32, #tpu.memory_space<vmem>> -> memref<1x64xi32, #tpu.memory_space<vmem>>
      %dma_start3A_66 = tpu.memref_squeeze %dma_start3A_65 : memref<1x64xi32, #tpu.memory_space<vmem>> -> memref<64xi32, #tpu.memory_space<vmem>>
      %dma_start3A_67 = arith.constant 0 : i32
      %dma_start3A_68 = arith.constant 0 : i32
      %dma_start3A_69 = tpu.memref_slice %arg9[%dma_start3A_67, %dma_start3A_68] : memref<10000x128xf32, #tpu.memory_space<vmem_shared>> -> memref<10000x128xf32, #tpu.memory_space<vmem_shared>>
      tpu.enqueue_indirect_dma source(%arg8 : memref<64x128xf32, #tpu.memory_space<vmem>>) target(%dma_start3A_69 : memref<10000x128xf32, #tpu.memory_space<vmem_shared>>) offsets(%dma_start3A_66 : memref<64xi32, #tpu.memory_space<vmem>>) semaphore(%arg13 : memref<!tpu.dma_semaphore, #tpu.memory_space<semaphore_mem>>) {add = true}
      %dma_wait3A_70 = arith.constant 0 : i32
      %dma_wait3A_71 = tpu.memref_slice %arg6[%mul3A_38, %dma_wait3A_70] : memref<320x64xi32, #tpu.memory_space<vmem>> -> memref<1x64xi32, #tpu.memory_space<vmem>>
      %dma_wait3A_72 = tpu.memref_squeeze %dma_wait3A_71 : memref<1x64xi32, #tpu.memory_space<vmem>> -> memref<64xi32, #tpu.memory_space<vmem>>
      %dma_wait3A_73 = arith.constant 0 : i32
      %dma_wait3A_74 = arith.constant 0 : i32
      %dma_wait3A_75 = tpu.memref_slice %arg9[%dma_wait3A_73, %dma_wait3A_74] : memref<10000x128xf32, #tpu.memory_space<vmem_shared>> -> memref<10000x128xf32, #tpu.memory_space<vmem_shared>>
      tpu.wait_indirect_dma semaphore(%arg12 : memref<!tpu.dma_semaphore, #tpu.memory_space<semaphore_mem>>) src(%arg7 : memref<64x128xf32, #tpu.memory_space<vmem>>) dst(%dma_wait3A_75 : memref<10000x128xf32, #tpu.memory_space<vmem_shared>>)
      %add3A_76 = arith.constant 2 : i32
      %add3A_77 = arith.addi %mul3A_38, %add3A_76 : i32
      %lt3A = arith.constant 320 : i32
      %lt3A_78 = arith.cmpi slt, %add3A_77, %lt3A : i32
      %convert_element_type3A = arith.extui %lt3A_78 : i1 to i32
      %cond3A = arith.constant 0 : i32
      %cond3A_79 = arith.cmpi ne, %convert_element_type3A, %cond3A : i32
      scf.if %cond3A_79 {
        %add3A_93 = arith.constant 2 : i32
        %add3A_94 = arith.addi %mul3A_38, %add3A_93 : i32
        %mul3A_95 = arith.constant 320 : i32
        %mul3A_96 = arith.muli %add3A, %mul3A_95 : i32
        %add3A_97 = arith.addi %mul3A_96, %add3A_94 : i32
        %mul3A_98 = arith.constant 64 : i32
        %mul3A_99 = arith.muli %add3A_97, %mul3A_98 : i32
        %dma_start3A_100 = arith.constant 0 : i32
        %dma_start3A_101 = tpu.memref_slice %arg2[%mul3A_99, %dma_start3A_100] : memref<655360x128xf32, #tpu.memory_space<hbm>> -> memref<64x128xf32, #tpu.memory_space<hbm>>
        %dma_start3A_102 = arith.constant 0 : i32
        %dma_start3A_103 = tpu.memref_slice %arg2[%mul3A_99, %dma_start3A_102] : memref<655360x128xf32, #tpu.memory_space<hbm>> -> memref<64x128xf32, #tpu.memory_space<hbm>>
        tpu.enqueue_dma source(%dma_start3A_103 : memref<64x128xf32, #tpu.memory_space<hbm>>) target(%arg7 : memref<64x128xf32, #tpu.memory_space<vmem>>) target_semaphore(%arg10 : memref<!tpu.dma_semaphore, #tpu.memory_space<semaphore_mem>>)
      } else {
      }
      %dma_wait3A_80 = arith.constant 0 : i32
      %dma_wait3A_81 = tpu.memref_slice %arg6[%add3A_40, %dma_wait3A_80] : memref<320x64xi32, #tpu.memory_space<vmem>> -> memref<1x64xi32, #tpu.memory_space<vmem>>
      %dma_wait3A_82 = tpu.memref_squeeze %dma_wait3A_81 : memref<1x64xi32, #tpu.memory_space<vmem>> -> memref<64xi32, #tpu.memory_space<vmem>>
      %dma_wait3A_83 = arith.constant 0 : i32
      %dma_wait3A_84 = arith.constant 0 : i32
      %dma_wait3A_85 = tpu.memref_slice %arg9[%dma_wait3A_83, %dma_wait3A_84] : memref<10000x128xf32, #tpu.memory_space<vmem_shared>> -> memref<10000x128xf32, #tpu.memory_space<vmem_shared>>
      tpu.wait_indirect_dma semaphore(%arg13 : memref<!tpu.dma_semaphore, #tpu.memory_space<semaphore_mem>>) src(%arg8 : memref<64x128xf32, #tpu.memory_space<vmem>>) dst(%dma_wait3A_85 : memref<10000x128xf32, #tpu.memory_space<vmem_shared>>)
      %add3A_86 = arith.constant 2 : i32
      %add3A_87 = arith.addi %add3A_40, %add3A_86 : i32
      %lt3A_88 = arith.constant 320 : i32
      %lt3A_89 = arith.cmpi slt, %add3A_87, %lt3A_88 : i32
      %convert_element_type3A_90 = arith.extui %lt3A_89 : i1 to i32
      %cond3A_91 = arith.constant 0 : i32
      %cond3A_92 = arith.cmpi ne, %convert_element_type3A_90, %cond3A_91 : i32
      scf.if %cond3A_92 {
        %add3A_93 = arith.constant 2 : i32
        %add3A_94 = arith.addi %add3A_40, %add3A_93 : i32
        %mul3A_95 = arith.constant 320 : i32
        %mul3A_96 = arith.muli %add3A, %mul3A_95 : i32
        %add3A_97 = arith.addi %mul3A_96, %add3A_94 : i32
        %mul3A_98 = arith.constant 64 : i32
        %mul3A_99 = arith.muli %add3A_97, %mul3A_98 : i32
        %dma_start3A_100 = arith.constant 0 : i32
        %dma_start3A_101 = tpu.memref_slice %arg2[%mul3A_99, %dma_start3A_100] : memref<655360x128xf32, #tpu.memory_space<hbm>> -> memref<64x128xf32, #tpu.memory_space<hbm>>
        %dma_start3A_102 = arith.constant 0 : i32
        %dma_start3A_103 = tpu.memref_slice %arg2[%mul3A_99, %dma_start3A_102] : memref<655360x128xf32, #tpu.memory_space<hbm>> -> memref<64x128xf32, #tpu.memory_space<hbm>>
        tpu.enqueue_dma source(%dma_start3A_103 : memref<64x128xf32, #tpu.memory_space<hbm>>) target(%arg8 : memref<64x128xf32, #tpu.memory_space<vmem>>) target_semaphore(%arg11 : memref<!tpu.dma_semaphore, #tpu.memory_space<semaphore_mem>>)
      } else {
      }
    }
    %scan3A_30 = arith.constant 160 : i32
    %barrier3A_31 = arith.constant 0 : index
    tpu.barrier barrier_id(%barrier3A_31)
    %mul3A_32 = arith.constant 625 : i32
    %mul3A_33 = arith.muli %arg1, %mul3A_32 : i32
    %mul3A_34 = arith.constant 625 : i32
    %mul3A_35 = arith.muli %arg1, %mul3A_34 : i32
    "tpu.region"() ({
      %run_scoped3A = tpu.sem_alloc : memref<!tpu.dma_semaphore, #tpu.memory_space<semaphore_mem>>
      %dma_start3A_36 = arith.constant 0 : i32
      %dma_start3A_37 = tpu.memref_slice %arg5[%arg0, %mul3A_35, %dma_start3A_36] : memref<2x10000x128xf32, #tpu.memory_space<hbm>> -> memref<1x625x128xf32, #tpu.memory_space<hbm>>
      %dma_start3A_38 = tpu.memref_squeeze %dma_start3A_37 : memref<1x625x128xf32, #tpu.memory_space<hbm>> -> memref<625x128xf32, #tpu.memory_space<hbm>>
      %dma_start3A_39 = arith.constant 0 : i32
      %dma_start3A_40 = tpu.memref_slice %arg9[%mul3A_33, %dma_start3A_39] : memref<10000x128xf32, #tpu.memory_space<vmem_shared>> -> memref<625x128xf32, #tpu.memory_space<vmem_shared>>
      tpu.enqueue_dma source(%dma_start3A_40 : memref<625x128xf32, #tpu.memory_space<vmem_shared>>) target(%dma_start3A_38 : memref<625x128xf32, #tpu.memory_space<hbm>>) target_semaphore(%run_scoped3A : memref<!tpu.dma_semaphore, #tpu.memory_space<semaphore_mem>>)
      %dma_wait3A = arith.constant 0 : i32
      %dma_wait3A_41 = tpu.memref_slice %arg5[%arg0, %mul3A_35, %dma_wait3A] : memref<2x10000x128xf32, #tpu.memory_space<hbm>> -> memref<1x625x128xf32, #tpu.memory_space<hbm>>
      %dma_wait3A_42 = tpu.memref_squeeze %dma_wait3A_41 : memref<1x625x128xf32, #tpu.memory_space<hbm>> -> memref<625x128xf32, #tpu.memory_space<hbm>>
      %dma_wait3A_43 = arith.constant 0 : i32
      %dma_wait3A_44 = tpu.memref_slice %arg9[%mul3A_33, %dma_wait3A_43] : memref<10000x128xf32, #tpu.memory_space<vmem_shared>> -> memref<625x128xf32, #tpu.memory_space<vmem_shared>>
      tpu.wait_dma2 semaphore(%run_scoped3A : memref<!tpu.dma_semaphore, #tpu.memory_space<semaphore_mem>>) src(%dma_wait3A_44 : memref<625x128xf32, #tpu.memory_space<vmem_shared>>) dst(%dma_wait3A_42 : memref<625x128xf32, #tpu.memory_space<hbm>>)
      tpu.yield
    }) : () -> ()
    return
  }
}

#map = affine_map<(d0, d1) -> (0, 0)>
#map1 = affine_map<(d0, d1) -> (0, 0, 0)>
module attributes {stable_mosaic.version = 14 : i64} {
  func.func @_sc_gscatter_body(%arg0: i32, %arg1: i32, %arg2: memref<10240x128xf32, #tpu.memory_space<hbm>>, %arg3: memref<256x40xi32, #tpu.memory_space<hbm>>, %arg4: memref<10000x128xf32, #tpu.memory_space<hbm>>, %arg5: memref<2x10000x128xf32, #tpu.memory_space<hbm>>, %arg6: memref<8x40xi32, #tpu.memory_space<vmem>>, %arg7: memref<40x128xf32, #tpu.memory_space<vmem>>, %arg8: memref<10000x128xf32, #tpu.memory_space<vmem_shared>>, %arg9: memref<!tpu.dma_semaphore, #tpu.memory_space<semaphore_mem>>) attributes {dimension_semantics = [#tpu.dimension_semantics<core_parallel>, #tpu.dimension_semantics<subcore_parallel>], iteration_bounds = array<i64: 2, 16>, scalar_prefetch = 0 : i64, scratch_operands = 4 : i64, tpu.core_type = #tpu.core_type<sc_vector_subcore>, window_params = [{transform_indices = #map}, {transform_indices = #map}, {transform_indices = #map}, {transform_indices = #map1}]} {
    %mul3A = arith.constant 2 : i32
    %mul3A_0 = arith.muli %arg1, %mul3A : i32
    %add3A = arith.addi %mul3A_0, %arg0 : i32
    %mul3A_1 = arith.constant 625 : i32
    %mul3A_2 = arith.muli %arg1, %mul3A_1 : i32
    %mul3A_3 = arith.constant 625 : i32
    %mul3A_4 = arith.muli %arg1, %mul3A_3 : i32
    "tpu.region"() ({
      %run_scoped3A = tpu.sem_alloc : memref<!tpu.dma_semaphore, #tpu.memory_space<semaphore_mem>>
      %dma_start3A = arith.constant 0 : i32
      %dma_start3A_17 = tpu.memref_slice %arg8[%mul3A_4, %dma_start3A] : memref<10000x128xf32, #tpu.memory_space<vmem_shared>> -> memref<625x128xf32, #tpu.memory_space<vmem_shared>>
      %dma_start3A_18 = arith.constant 0 : i32
      %dma_start3A_19 = tpu.memref_slice %arg4[%mul3A_2, %dma_start3A_18] : memref<10000x128xf32, #tpu.memory_space<hbm>> -> memref<625x128xf32, #tpu.memory_space<hbm>>
      tpu.enqueue_dma source(%dma_start3A_19 : memref<625x128xf32, #tpu.memory_space<hbm>>) target(%dma_start3A_17 : memref<625x128xf32, #tpu.memory_space<vmem_shared>>) target_semaphore(%run_scoped3A : memref<!tpu.dma_semaphore, #tpu.memory_space<semaphore_mem>>)
      %dma_wait3A = arith.constant 0 : i32
      %dma_wait3A_20 = tpu.memref_slice %arg8[%mul3A_4, %dma_wait3A] : memref<10000x128xf32, #tpu.memory_space<vmem_shared>> -> memref<625x128xf32, #tpu.memory_space<vmem_shared>>
      %dma_wait3A_21 = arith.constant 0 : i32
      %dma_wait3A_22 = tpu.memref_slice %arg4[%mul3A_2, %dma_wait3A_21] : memref<10000x128xf32, #tpu.memory_space<hbm>> -> memref<625x128xf32, #tpu.memory_space<hbm>>
      tpu.wait_dma2 semaphore(%run_scoped3A : memref<!tpu.dma_semaphore, #tpu.memory_space<semaphore_mem>>) src(%dma_wait3A_22 : memref<625x128xf32, #tpu.memory_space<hbm>>) dst(%dma_wait3A_20 : memref<625x128xf32, #tpu.memory_space<vmem_shared>>)
      tpu.yield
    }) : () -> ()
    %barrier3A = arith.constant 0 : index
    tpu.barrier barrier_id(%barrier3A)
    %mul3A_5 = arith.constant 8 : i32
    %mul3A_6 = arith.muli %add3A, %mul3A_5 : i32
    "tpu.region"() ({
      %run_scoped3A = tpu.sem_alloc : memref<!tpu.dma_semaphore, #tpu.memory_space<semaphore_mem>>
      %dma_start3A = arith.constant 0 : i32
      %dma_start3A_17 = tpu.memref_slice %arg3[%mul3A_6, %dma_start3A] : memref<256x40xi32, #tpu.memory_space<hbm>> -> memref<8x40xi32, #tpu.memory_space<hbm>>
      %dma_start3A_18 = arith.constant 0 : i32
      %dma_start3A_19 = tpu.memref_slice %arg3[%mul3A_6, %dma_start3A_18] : memref<256x40xi32, #tpu.memory_space<hbm>> -> memref<8x40xi32, #tpu.memory_space<hbm>>
      tpu.enqueue_dma source(%dma_start3A_19 : memref<8x40xi32, #tpu.memory_space<hbm>>) target(%arg6 : memref<8x40xi32, #tpu.memory_space<vmem>>) target_semaphore(%run_scoped3A : memref<!tpu.dma_semaphore, #tpu.memory_space<semaphore_mem>>)
      %dma_wait3A = arith.constant 0 : i32
      %dma_wait3A_20 = tpu.memref_slice %arg3[%mul3A_6, %dma_wait3A] : memref<256x40xi32, #tpu.memory_space<hbm>> -> memref<8x40xi32, #tpu.memory_space<hbm>>
      %dma_wait3A_21 = arith.constant 0 : i32
      %dma_wait3A_22 = tpu.memref_slice %arg3[%mul3A_6, %dma_wait3A_21] : memref<256x40xi32, #tpu.memory_space<hbm>> -> memref<8x40xi32, #tpu.memory_space<hbm>>
      tpu.wait_dma2 semaphore(%run_scoped3A : memref<!tpu.dma_semaphore, #tpu.memory_space<semaphore_mem>>) src(%dma_wait3A_22 : memref<8x40xi32, #tpu.memory_space<hbm>>) dst(%arg6 : memref<8x40xi32, #tpu.memory_space<vmem>>)
      tpu.yield
    }) : () -> ()
    %scan3A = arith.constant 0 : i32
    %scan3A_7 = arith.constant 0 : i32
    %scan3A_8 = arith.constant 8 : i32
    %scan3A_9 = arith.addi %scan3A_7, %scan3A_8 : i32
    %scan3A_10 = arith.constant 1 : i32
    scf.for %scan3A_17 = %scan3A_7 to %scan3A_9 step %scan3A_10  : i32 {
      %mul3A_18 = arith.constant 8 : i32
      %mul3A_19 = arith.muli %add3A, %mul3A_18 : i32
      %add3A_20 = arith.addi %mul3A_19, %scan3A_17 : i32
      %mul3A_21 = arith.constant 40 : i32
      %mul3A_22 = arith.muli %add3A_20, %mul3A_21 : i32
      "tpu.region"() ({
        %run_scoped3A = tpu.sem_alloc : memref<!tpu.dma_semaphore, #tpu.memory_space<semaphore_mem>>
        %dma_start3A = arith.constant 0 : i32
        %dma_start3A_23 = tpu.memref_slice %arg2[%mul3A_22, %dma_start3A] : memref<10240x128xf32, #tpu.memory_space<hbm>> -> memref<40x128xf32, #tpu.memory_space<hbm>>
        %dma_start3A_24 = arith.constant 0 : i32
        %dma_start3A_25 = tpu.memref_slice %arg2[%mul3A_22, %dma_start3A_24] : memref<10240x128xf32, #tpu.memory_space<hbm>> -> memref<40x128xf32, #tpu.memory_space<hbm>>
        tpu.enqueue_dma source(%dma_start3A_25 : memref<40x128xf32, #tpu.memory_space<hbm>>) target(%arg7 : memref<40x128xf32, #tpu.memory_space<vmem>>) target_semaphore(%run_scoped3A : memref<!tpu.dma_semaphore, #tpu.memory_space<semaphore_mem>>)
        %dma_wait3A = arith.constant 0 : i32
        %dma_wait3A_26 = tpu.memref_slice %arg2[%mul3A_22, %dma_wait3A] : memref<10240x128xf32, #tpu.memory_space<hbm>> -> memref<40x128xf32, #tpu.memory_space<hbm>>
        %dma_wait3A_27 = arith.constant 0 : i32
        %dma_wait3A_28 = tpu.memref_slice %arg2[%mul3A_22, %dma_wait3A_27] : memref<10240x128xf32, #tpu.memory_space<hbm>> -> memref<40x128xf32, #tpu.memory_space<hbm>>
        tpu.wait_dma2 semaphore(%run_scoped3A : memref<!tpu.dma_semaphore, #tpu.memory_space<semaphore_mem>>) src(%dma_wait3A_28 : memref<40x128xf32, #tpu.memory_space<hbm>>) dst(%arg7 : memref<40x128xf32, #tpu.memory_space<vmem>>)
        tpu.yield
      }) : () -> ()
      "tpu.region"() ({
        %run_scoped3A = tpu.sem_alloc : memref<!tpu.dma_semaphore, #tpu.memory_space<semaphore_mem>>
        %dma_start3A = arith.constant 0 : i32
        %dma_start3A_23 = tpu.memref_slice %arg6[%scan3A_17, %dma_start3A] : memref<8x40xi32, #tpu.memory_space<vmem>> -> memref<1x40xi32, #tpu.memory_space<vmem>>
        %dma_start3A_24 = tpu.memref_squeeze %dma_start3A_23 : memref<1x40xi32, #tpu.memory_space<vmem>> -> memref<40xi32, #tpu.memory_space<vmem>>
        %dma_start3A_25 = arith.constant 0 : i32
        %dma_start3A_26 = arith.constant 0 : i32
        %dma_start3A_27 = tpu.memref_slice %arg8[%dma_start3A_25, %dma_start3A_26] : memref<10000x128xf32, #tpu.memory_space<vmem_shared>> -> memref<10000x128xf32, #tpu.memory_space<vmem_shared>>
        tpu.enqueue_indirect_dma source(%arg7 : memref<40x128xf32, #tpu.memory_space<vmem>>) target(%dma_start3A_27 : memref<10000x128xf32, #tpu.memory_space<vmem_shared>>) offsets(%dma_start3A_24 : memref<40xi32, #tpu.memory_space<vmem>>) semaphore(%run_scoped3A : memref<!tpu.dma_semaphore, #tpu.memory_space<semaphore_mem>>) {add = true}
        %dma_wait3A = arith.constant 0 : i32
        %dma_wait3A_28 = tpu.memref_slice %arg6[%scan3A_17, %dma_wait3A] : memref<8x40xi32, #tpu.memory_space<vmem>> -> memref<1x40xi32, #tpu.memory_space<vmem>>
        %dma_wait3A_29 = tpu.memref_squeeze %dma_wait3A_28 : memref<1x40xi32, #tpu.memory_space<vmem>> -> memref<40xi32, #tpu.memory_space<vmem>>
        %dma_wait3A_30 = arith.constant 0 : i32
        %dma_wait3A_31 = arith.constant 0 : i32
        %dma_wait3A_32 = tpu.memref_slice %arg8[%dma_wait3A_30, %dma_wait3A_31] : memref<10000x128xf32, #tpu.memory_space<vmem_shared>> -> memref<10000x128xf32, #tpu.memory_space<vmem_shared>>
        tpu.wait_indirect_dma semaphore(%run_scoped3A : memref<!tpu.dma_semaphore, #tpu.memory_space<semaphore_mem>>) src(%arg7 : memref<40x128xf32, #tpu.memory_space<vmem>>) dst(%dma_wait3A_32 : memref<10000x128xf32, #tpu.memory_space<vmem_shared>>)
        tpu.yield
      }) : () -> ()
    }
    %scan3A_11 = arith.constant 8 : i32
    %barrier3A_12 = arith.constant 0 : index
    tpu.barrier barrier_id(%barrier3A_12)
    %mul3A_13 = arith.constant 625 : i32
    %mul3A_14 = arith.muli %arg1, %mul3A_13 : i32
    %mul3A_15 = arith.constant 625 : i32
    %mul3A_16 = arith.muli %arg1, %mul3A_15 : i32
    "tpu.region"() ({
      %run_scoped3A = tpu.sem_alloc : memref<!tpu.dma_semaphore, #tpu.memory_space<semaphore_mem>>
      %dma_start3A = arith.constant 0 : i32
      %dma_start3A_17 = tpu.memref_slice %arg5[%arg0, %mul3A_16, %dma_start3A] : memref<2x10000x128xf32, #tpu.memory_space<hbm>> -> memref<1x625x128xf32, #tpu.memory_space<hbm>>
      %dma_start3A_18 = tpu.memref_squeeze %dma_start3A_17 : memref<1x625x128xf32, #tpu.memory_space<hbm>> -> memref<625x128xf32, #tpu.memory_space<hbm>>
      %dma_start3A_19 = arith.constant 0 : i32
      %dma_start3A_20 = tpu.memref_slice %arg8[%mul3A_14, %dma_start3A_19] : memref<10000x128xf32, #tpu.memory_space<vmem_shared>> -> memref<625x128xf32, #tpu.memory_space<vmem_shared>>
      tpu.enqueue_dma source(%dma_start3A_20 : memref<625x128xf32, #tpu.memory_space<vmem_shared>>) target(%dma_start3A_18 : memref<625x128xf32, #tpu.memory_space<hbm>>) target_semaphore(%run_scoped3A : memref<!tpu.dma_semaphore, #tpu.memory_space<semaphore_mem>>)
      %dma_wait3A = arith.constant 0 : i32
      %dma_wait3A_21 = tpu.memref_slice %arg5[%arg0, %mul3A_16, %dma_wait3A] : memref<2x10000x128xf32, #tpu.memory_space<hbm>> -> memref<1x625x128xf32, #tpu.memory_space<hbm>>
      %dma_wait3A_22 = tpu.memref_squeeze %dma_wait3A_21 : memref<1x625x128xf32, #tpu.memory_space<hbm>> -> memref<625x128xf32, #tpu.memory_space<hbm>>
      %dma_wait3A_23 = arith.constant 0 : i32
      %dma_wait3A_24 = tpu.memref_slice %arg8[%mul3A_14, %dma_wait3A_23] : memref<10000x128xf32, #tpu.memory_space<vmem_shared>> -> memref<625x128xf32, #tpu.memory_space<vmem_shared>>
      tpu.wait_dma2 semaphore(%run_scoped3A : memref<!tpu.dma_semaphore, #tpu.memory_space<semaphore_mem>>) src(%dma_wait3A_24 : memref<625x128xf32, #tpu.memory_space<vmem_shared>>) dst(%dma_wait3A_22 : memref<625x128xf32, #tpu.memory_space<hbm>>)
      tpu.yield
    }) : () -> ()
    return
  }
}

module attributes {stable_mosaic.version = 14 : i64} {
  func.func @_tbw2_body(%arg0: i32, %arg1: memref<1x1x3200xf32, #tpu.memory_space<vmem>>, %arg2: memref<16x16xf32, #tpu.memory_space<vmem>>, %arg3: memref<16x128xf32, #tpu.memory_space<vmem>>, %arg4: memref<3200x128xf32, #tpu.memory_space<vmem>>) attributes {dimension_semantics = [#tpu.dimension_semantics<arbitrary>], iteration_bounds = array<i64: 100>, scalar_prefetch = 0 : i64, scratch_operands = 0 : i64, tpu.core_type = #tpu.core_type<tc>, window_params = [{transform_indices = @transform_0, window_bounds = array<i64: 1, 1, 3200>}, {pipeline_mode = #tpu.pipeline_mode<synchronous>, transform_indices = @transform_1, window_bounds = array<i64: 16, 16>}, {pipeline_mode = #tpu.pipeline_mode<synchronous>, transform_indices = @transform_2, window_bounds = array<i64: 16, 128>}, {transform_indices = @transform_3, window_bounds = array<i64: 3200, 128>}]} {
    %get3A = arith.constant 0 : index
    %get3A_0 = arith.constant 0 : index
    %get3A_1 = arith.constant 0 : index
    %get3A_2 = vector.load %arg1[%get3A, %get3A_0, %get3A_1] : memref<1x1x3200xf32, #tpu.memory_space<vmem>>, vector<1x1x3200xf32>
    %get3A_3 = vector.shape_cast %get3A_2 : vector<1x1x3200xf32> to vector<3200xf32>
    %iota3A = tpu.iota {dimensions = array<i32: 1>} : vector<1x16xi32>
    %convert_element_type3A = arith.sitofp %iota3A : vector<1x16xi32> to vector<1x16xf32>
    %mul3A = arith.constant 0.333333343 : f32
    %mul3A_4 = vector.broadcast %mul3A : f32 to vector<1x16xf32>
    %mul3A_5 = arith.mulf %convert_element_type3A, %mul3A_4 : vector<1x16xf32>
    %broadcast_in_dim3A = vector.shape_cast %get3A_3 : vector<3200xf32> to vector<3200x1xf32>
    %sub3A = vector.broadcast %broadcast_in_dim3A : vector<3200x1xf32> to vector<3200x16xf32>
    %sub3A_6 = vector.broadcast %mul3A_5 : vector<1x16xf32> to vector<3200x16xf32>
    %sub3A_7 = arith.subf %sub3A, %sub3A_6 : vector<3200x16xf32>
    %integer_pow3A = arith.mulf %sub3A_7, %sub3A_7 : vector<3200x16xf32>
    %mul3A_8 = arith.constant -1.024000e+01 : f32
    %mul3A_9 = vector.broadcast %mul3A_8 : f32 to vector<3200x16xf32>
    %mul3A_10 = arith.mulf %mul3A_9, %integer_pow3A : vector<3200x16xf32>
    %exp3A = math.exp %mul3A_10 : vector<3200x16xf32>
    %mul3A_11 = arith.constant 3.14159274 : f32
    %mul3A_12 = vector.broadcast %mul3A_11 : f32 to vector<3200xf32>
    %mul3A_13 = arith.mulf %mul3A_12, %get3A_3 : vector<3200xf32>
    %div3A = arith.constant 5.000000e+00 : f32
    %div3A_14 = vector.broadcast %div3A : f32 to vector<3200xf32>
    %div3A_15 = arith.divf %mul3A_13, %div3A_14 : vector<3200xf32>
    %cos3A = math.cos %div3A_15 : vector<3200xf32>
    %add3A = arith.constant 1.000000e+00 : f32
    %add3A_16 = vector.broadcast %add3A : f32 to vector<3200xf32>
    %add3A_17 = arith.addf %add3A_16, %cos3A : vector<3200xf32>
    %mul3A_18 = arith.constant 5.000000e-01 : f32
    %mul3A_19 = vector.broadcast %mul3A_18 : f32 to vector<3200xf32>
    %mul3A_20 = arith.mulf %mul3A_19, %add3A_17 : vector<3200xf32>
    %lt3A = arith.constant 5.000000e+00 : f32
    %lt3A_21 = vector.broadcast %lt3A : f32 to vector<3200xf32>
    %lt3A_22 = arith.cmpf olt, %get3A_3, %lt3A_21 : vector<3200xf32>
    %convert_element_type3A_23 = arith.extui %lt3A_22 : vector<3200xi1> to vector<3200xi32>
    %convert_element_type3A_24 = arith.sitofp %convert_element_type3A_23 : vector<3200xi32> to vector<3200xf32>
    %mul3A_25 = arith.mulf %mul3A_20, %convert_element_type3A_24 : vector<3200xf32>
    %broadcast_in_dim3A_26 = vector.shape_cast %mul3A_25 : vector<3200xf32> to vector<3200x1xf32>
    %mul3A_27 = vector.broadcast %broadcast_in_dim3A_26 : vector<3200x1xf32> to vector<3200x16xf32>
    %mul3A_28 = arith.mulf %exp3A, %mul3A_27 : vector<3200x16xf32>
    %get3A_29 = arith.constant 0 : index
    %get3A_30 = arith.constant 0 : index
    %get3A_31 = vector.load %arg2[%get3A_29, %get3A_30] : memref<16x16xf32, #tpu.memory_space<vmem>>, vector<16x16xf32>
    %dot_general3A = arith.constant dense<0.000000e+00> : vector<3200x16xf32>
    %dot_general3A_32 = tpu.matmul %mul3A_28, %get3A_31, %dot_general3A {dimension_numbers = #tpu.dot_dimension_numbers<[1], [0], [0], [1], [0, 0, 1, 1], [], []>, transpose_lhs_hint = false} : vector<3200x16xf32>, vector<16x16xf32>, vector<3200x16xf32> -> vector<3200x16xf32>
    %custom_jvp_call3A = arith.constant 0.000000e+00 : f32
    %max3A = vector.broadcast %custom_jvp_call3A : f32 to vector<3200x16xf32>
    %max3A_33 = arith.maximumf %dot_general3A_32, %max3A : vector<3200x16xf32>
    %sub3A_34 = vector.broadcast %custom_jvp_call3A : f32 to vector<3200x16xf32>
    %sub3A_35 = arith.subf %dot_general3A_32, %sub3A_34 : vector<3200x16xf32>
    %ne3A = arith.cmpf one, %sub3A_35, %sub3A_35 : vector<3200x16xf32>
    %add3A_36 = vector.broadcast %custom_jvp_call3A : f32 to vector<3200x16xf32>
    %add3A_37 = arith.addf %dot_general3A_32, %add3A_36 : vector<3200x16xf32>
    %abs3A = math.absf %sub3A_35 : vector<3200x16xf32>
    %neg3A = arith.constant 0.000000e+00 : f32
    %neg3A_38 = vector.broadcast %neg3A : f32 to vector<3200x16xf32>
    %neg3A_39 = arith.subf %neg3A_38, %abs3A : vector<3200x16xf32>
    %exp3A_40 = math.exp %neg3A_39 : vector<3200x16xf32>
    %log1p3A = math.log1p %exp3A_40 : vector<3200x16xf32>
    %add3A_41 = arith.addf %max3A_33, %log1p3A : vector<3200x16xf32>
    %select_n3A = arith.select %ne3A, %add3A_37, %add3A_41 : vector<3200x16xi1>, vector<3200x16xf32>
    %log3A = arith.constant 2.000000e+00 : f32
    %log3A_42 = math.log %log3A : f32
    %sub3A_43 = vector.broadcast %log3A_42 : f32 to vector<3200x16xf32>
    %sub3A_44 = arith.subf %select_n3A, %sub3A_43 : vector<3200x16xf32>
    %get3A_45 = arith.constant 0 : index
    %get3A_46 = arith.constant 0 : index
    %get3A_47 = vector.load %arg3[%get3A_45, %get3A_46] : memref<16x128xf32, #tpu.memory_space<vmem>>, vector<16x128xf32>
    %dot_general3A_48 = arith.constant dense<0.000000e+00> : vector<3200x128xf32>
    %dot_general3A_49 = tpu.matmul %sub3A_44, %get3A_47, %dot_general3A_48 {dimension_numbers = #tpu.dot_dimension_numbers<[1], [0], [0], [1], [0, 0, 1, 1], [], []>, transpose_lhs_hint = false} : vector<3200x16xf32>, vector<16x128xf32>, vector<3200x128xf32> -> vector<3200x128xf32>
    %swap3A = arith.constant 0 : index
    %swap3A_50 = arith.constant 0 : index
    %swap3A_51 = vector.load %arg4[%swap3A, %swap3A_50] : memref<3200x128xf32, #tpu.memory_space<vmem>>, vector<3200x128xf32>
    tpu.vector_store %arg4[%swap3A, %swap3A_50], %dot_general3A_49 {strides = array<i32>} : memref<3200x128xf32, #tpu.memory_space<vmem>>, vector<3200x128xf32>,
    return
  }
  func.func @transform_0(%arg0: i32) -> (i32, i32, i32) {
    %c0_i32 = arith.constant 0 : i32
    %c0_i32_0 = arith.constant 0 : i32
    %c0_i32_1 = arith.constant 0 : i32
    return %arg0, %c0_i32, %c0_i32_0 : i32, i32, i32
  }
  func.func @transform_1(%arg0: i32) -> (i32, i32) {
    %c0_i32 = arith.constant 0 : i32
    %c0_i32_0 = arith.constant 0 : i32
    %c0_i32_1 = arith.constant 0 : i32
    return %c0_i32, %c0_i32_0 : i32, i32
  }
  func.func @transform_2(%arg0: i32) -> (i32, i32) {
    %c0_i32 = arith.constant 0 : i32
    %c0_i32_0 = arith.constant 0 : i32
    %c0_i32_1 = arith.constant 0 : i32
    return %c0_i32, %c0_i32_0 : i32, i32
  }
  func.func @transform_3(%arg0: i32) -> (i32, i32) {
    %c0_i32 = arith.constant 0 : i32
    %c0_i32_0 = arith.constant 0 : i32
    return %arg0, %c0_i32 : i32, i32
  }
}

module attributes {stable_mosaic.version = 14 : i64} {
  func.func @_a3_body(%arg0: i32, %arg1: memref<1x1x4096xf32, #tpu.memory_space<vmem>>, %arg2: memref<1x1x4096xf32, #tpu.memory_space<vmem>>, %arg3: memref<1x1x4096xf32, #tpu.memory_space<vmem>>, %arg4: memref<3x128xf32, #tpu.memory_space<vmem>>, %arg5: memref<8x128xf32, #tpu.memory_space<vmem>>, %arg6: memref<4096x128xf32, #tpu.memory_space<vmem>>) attributes {dimension_semantics = [#tpu.dimension_semantics<arbitrary>], iteration_bounds = array<i64: 160>, scalar_prefetch = 0 : i64, scratch_operands = 0 : i64, tpu.core_type = #tpu.core_type<tc>, window_params = [{transform_indices = @transform_0, window_bounds = array<i64: 1, 1, 4096>}, {transform_indices = @transform_1, window_bounds = array<i64: 1, 1, 4096>}, {transform_indices = @transform_2, window_bounds = array<i64: 1, 1, 4096>}, {pipeline_mode = #tpu.pipeline_mode<synchronous>, transform_indices = @transform_3, window_bounds = array<i64: 3, 128>}, {transform_indices = @transform_4, window_bounds = array<i64: 8, 128>}, {transform_indices = @transform_5, window_bounds = array<i64: 4096, 128>}]} {
    %get3A = arith.constant 0 : index
    %get3A_0 = arith.constant 0 : index
    %get3A_1 = arith.constant 0 : index
    %get3A_2 = vector.load %arg1[%get3A, %get3A_0, %get3A_1] : memref<1x1x4096xf32, #tpu.memory_space<vmem>>, vector<1x1x4096xf32>
    %get3A_3 = vector.shape_cast %get3A_2 : vector<1x1x4096xf32> to vector<4096xf32>
    %get3A_4 = arith.constant 0 : index
    %get3A_5 = arith.constant 0 : index
    %get3A_6 = arith.constant 0 : index
    %get3A_7 = vector.load %arg2[%get3A_4, %get3A_5, %get3A_6] : memref<1x1x4096xf32, #tpu.memory_space<vmem>>, vector<1x1x4096xf32>
    %get3A_8 = vector.shape_cast %get3A_7 : vector<1x1x4096xf32> to vector<4096xf32>
    %get3A_9 = arith.constant 0 : index
    %get3A_10 = arith.constant 0 : index
    %get3A_11 = arith.constant 0 : index
    %get3A_12 = vector.load %arg3[%get3A_9, %get3A_10, %get3A_11] : memref<1x1x4096xf32, #tpu.memory_space<vmem>>, vector<1x1x4096xf32>
    %get3A_13 = vector.shape_cast %get3A_12 : vector<1x1x4096xf32> to vector<4096xf32>
    %cos3A = math.cos %get3A_13 : vector<4096xf32>
    %get3A_14 = arith.constant 0 : index
    %get3A_15 = arith.constant 0 : index
    %get3A_16 = vector.load %arg4[%get3A_14, %get3A_15] : memref<3x128xf32, #tpu.memory_space<vmem>>, vector<3x128xf32>
    %broadcast_in_dim3A = vector.shape_cast %get3A_3 : vector<4096xf32> to vector<4096x1xf32>
    %slice3A = vector.extract_strided_slice %get3A_16 {offsets = [0, 0], sizes = [1, 128], strides = [1, 1]} : vector<3x128xf32> to vector<1x128xf32>
    %squeeze3A = vector.shape_cast %slice3A : vector<1x128xf32> to vector<128xf32>
    %broadcast_in_dim3A_17 = vector.shape_cast %squeeze3A : vector<128xf32> to vector<1x128xf32>
    %mul3A = vector.broadcast %broadcast_in_dim3A : vector<4096x1xf32> to vector<4096x128xf32>
    %mul3A_18 = vector.broadcast %broadcast_in_dim3A_17 : vector<1x128xf32> to vector<4096x128xf32>
    %mul3A_19 = arith.mulf %mul3A, %mul3A_18 : vector<4096x128xf32>
    %broadcast_in_dim3A_20 = vector.shape_cast %get3A_8 : vector<4096xf32> to vector<4096x1xf32>
    %slice3A_21 = vector.extract_strided_slice %get3A_16 {offsets = [1, 0], sizes = [1, 128], strides = [1, 1]} : vector<3x128xf32> to vector<1x128xf32>
    %squeeze3A_22 = vector.shape_cast %slice3A_21 : vector<1x128xf32> to vector<128xf32>
    %broadcast_in_dim3A_23 = vector.shape_cast %squeeze3A_22 : vector<128xf32> to vector<1x128xf32>
    %mul3A_24 = vector.broadcast %broadcast_in_dim3A_20 : vector<4096x1xf32> to vector<4096x128xf32>
    %mul3A_25 = vector.broadcast %broadcast_in_dim3A_23 : vector<1x128xf32> to vector<4096x128xf32>
    %mul3A_26 = arith.mulf %mul3A_24, %mul3A_25 : vector<4096x128xf32>
    %add3A = arith.addf %mul3A_19, %mul3A_26 : vector<4096x128xf32>
    %broadcast_in_dim3A_27 = vector.shape_cast %cos3A : vector<4096xf32> to vector<4096x1xf32>
    %slice3A_28 = vector.extract_strided_slice %get3A_16 {offsets = [2, 0], sizes = [1, 128], strides = [1, 1]} : vector<3x128xf32> to vector<1x128xf32>
    %squeeze3A_29 = vector.shape_cast %slice3A_28 : vector<1x128xf32> to vector<128xf32>
    %broadcast_in_dim3A_30 = vector.shape_cast %squeeze3A_29 : vector<128xf32> to vector<1x128xf32>
    %mul3A_31 = vector.broadcast %broadcast_in_dim3A_27 : vector<4096x1xf32> to vector<4096x128xf32>
    %mul3A_32 = vector.broadcast %broadcast_in_dim3A_30 : vector<1x128xf32> to vector<4096x128xf32>
    %mul3A_33 = arith.mulf %mul3A_31, %mul3A_32 : vector<4096x128xf32>
    %add3A_34 = arith.addf %add3A, %mul3A_33 : vector<4096x128xf32>
    %custom_jvp_call3A = arith.constant 0.000000e+00 : f32
    %max3A = vector.broadcast %custom_jvp_call3A : f32 to vector<4096x128xf32>
    %max3A_35 = arith.maximumf %add3A_34, %max3A : vector<4096x128xf32>
    %sub3A = vector.broadcast %custom_jvp_call3A : f32 to vector<4096x128xf32>
    %sub3A_36 = arith.subf %add3A_34, %sub3A : vector<4096x128xf32>
    %ne3A = arith.cmpf one, %sub3A_36, %sub3A_36 : vector<4096x128xf32>
    %add3A_37 = vector.broadcast %custom_jvp_call3A : f32 to vector<4096x128xf32>
    %add3A_38 = arith.addf %add3A_34, %add3A_37 : vector<4096x128xf32>
    %abs3A = math.absf %sub3A_36 : vector<4096x128xf32>
    %neg3A = arith.constant 0.000000e+00 : f32
    %neg3A_39 = vector.broadcast %neg3A : f32 to vector<4096x128xf32>
    %neg3A_40 = arith.subf %neg3A_39, %abs3A : vector<4096x128xf32>
    %exp3A = math.exp %neg3A_40 : vector<4096x128xf32>
    %log1p3A = math.log1p %exp3A : vector<4096x128xf32>
    %add3A_41 = arith.addf %max3A_35, %log1p3A : vector<4096x128xf32>
    %select_n3A = arith.select %ne3A, %add3A_38, %add3A_41 : vector<4096x128xi1>, vector<4096x128xf32>
    %log3A = arith.constant 2.000000e+00 : f32
    %log3A_42 = math.log %log3A : f32
    %sub3A_43 = vector.broadcast %log3A_42 : f32 to vector<4096x128xf32>
    %sub3A_44 = arith.subf %select_n3A, %sub3A_43 : vector<4096x128xf32>
    %mul3A_45 = arith.constant 4096 : i32
    %mul3A_46 = arith.muli %arg0, %mul3A_45 : i32
    %iota3A = tpu.iota {dimensions = array<i32: 0>} : vector<4096x1xi32>
    %add3A_47 = vector.broadcast %mul3A_46 : i32 to vector<4096x1xi32>
    %add3A_48 = arith.addi %add3A_47, %iota3A : vector<4096x1xi32>
    %lt3A = arith.constant 640000 : i32
    %lt3A_49 = vector.broadcast %lt3A : i32 to vector<4096x1xi32>
    %lt3A_50 = arith.cmpi slt, %add3A_48, %lt3A_49 : vector<4096x1xi32>
    %jit3A = arith.constant 0.000000e+00 : f32
    %broadcast_in_dim3A_51 = vector.shape_cast %lt3A_50 : vector<4096x1xi1> to vector<4096x1xi1>
    %broadcast_in_dim3A_52 = vector.broadcast %broadcast_in_dim3A_51 : vector<4096x1xi1> to vector<4096x128xi1>
    %broadcast_in_dim3A_53 = vector.broadcast %jit3A : f32 to vector<4096x128xf32>
    %select_n3A_54 = arith.select %broadcast_in_dim3A_52, %sub3A_44, %broadcast_in_dim3A_53 : vector<4096x128xi1>, vector<4096x128xf32>
    %swap3A = arith.constant 0 : index
    %swap3A_55 = arith.constant 0 : index
    %swap3A_56 = vector.load %arg6[%swap3A, %swap3A_55] : memref<4096x128xf32, #tpu.memory_space<vmem>>, vector<4096x128xf32>
    tpu.vector_store %arg6[%swap3A, %swap3A_55], %select_n3A_54 {strides = array<i32>} : memref<4096x128xf32, #tpu.memory_space<vmem>>, vector<4096x128xf32>,
    return
  }
  func.func @transform_0(%arg0: i32) -> (i32, i32, i32) {
    %c0_i32 = arith.constant 0 : i32
    %c0_i32_0 = arith.constant 0 : i32
    %c0_i32_1 = arith.constant 0 : i32
    return %arg0, %c0_i32, %c0_i32_0 : i32, i32, i32
  }
  func.func @transform_1(%arg0: i32) -> (i32, i32, i32) {
    %c0_i32 = arith.constant 0 : i32
    %c0_i32_0 = arith.constant 0 : i32
    %c0_i32_1 = arith.constant 0 : i32
    return %arg0, %c0_i32, %c0_i32_0 : i32, i32, i32
  }
  func.func @transform_2(%arg0: i32) -> (i32, i32, i32) {
    %c0_i32 = arith.constant 0 : i32
    %c0_i32_0 = arith.constant 0 : i32
    %c0_i32_1 = arith.constant 0 : i32
    return %arg0, %c0_i32, %c0_i32_0 : i32, i32, i32
  }
  func.func @transform_3(%arg0: i32) -> (i32, i32) {
    %c0_i32 = arith.constant 0 : i32
    %c0_i32_0 = arith.constant 0 : i32
    %c0_i32_1 = arith.constant 0 : i32
    return %c0_i32, %c0_i32_0 : i32, i32
  }
  func.func @transform_4(%arg0: i32) -> (i32, i32) {
    %c0_i32 = arith.constant 0 : i32
    %c0_i32_0 = arith.constant 0 : i32
    %c0_i32_1 = arith.constant 0 : i32
    return %c0_i32, %c0_i32_0 : i32, i32
  }
  func.func @transform_5(%arg0: i32) -> (i32, i32) {
    %c0_i32 = arith.constant 0 : i32
    %c0_i32_0 = arith.constant 0 : i32
    return %arg0, %c0_i32 : i32, i32
  }
}

module attributes {stable_mosaic.version = 14 : i64} {
  func.func @_h_body(%arg0: i32, %arg1: memref<2000x128xf32, #tpu.memory_space<vmem>>, %arg2: memref<128x128xf32, #tpu.memory_space<vmem>>, %arg3: memref<2000x128xf32, #tpu.memory_space<vmem>>) attributes {dimension_semantics = [#tpu.dimension_semantics<arbitrary>], iteration_bounds = array<i64: 5>, scalar_prefetch = 0 : i64, scratch_operands = 0 : i64, tpu.core_type = #tpu.core_type<tc>, window_params = [{transform_indices = @transform_0, window_bounds = array<i64: 2000, 128>}, {pipeline_mode = #tpu.pipeline_mode<synchronous>, transform_indices = @transform_1, window_bounds = array<i64: 128, 128>}, {transform_indices = @transform_2, window_bounds = array<i64: 2000, 128>}]} {
    %get3A = arith.constant 0 : index
    %get3A_0 = arith.constant 0 : index
    %get3A_1 = vector.load %arg1[%get3A, %get3A_0] : memref<2000x128xf32, #tpu.memory_space<vmem>>, vector<2000x128xf32>
    %get3A_2 = arith.constant 0 : index
    %get3A_3 = arith.constant 0 : index
    %get3A_4 = vector.load %arg2[%get3A_2, %get3A_3] : memref<128x128xf32, #tpu.memory_space<vmem>>, vector<128x128xf32>
    %dot_general3A = arith.constant dense<0.000000e+00> : vector<2000x128xf32>
    %dot_general3A_5 = tpu.matmul %get3A_1, %get3A_4, %dot_general3A {dimension_numbers = #tpu.dot_dimension_numbers<[1], [0], [0], [1], [0, 0, 1, 1], [], []>, transpose_lhs_hint = false} : vector<2000x128xf32>, vector<128x128xf32>, vector<2000x128xf32> -> vector<2000x128xf32>
    %swap3A = arith.constant 0 : index
    %swap3A_6 = arith.constant 0 : index
    %swap3A_7 = vector.load %arg3[%swap3A, %swap3A_6] : memref<2000x128xf32, #tpu.memory_space<vmem>>, vector<2000x128xf32>
    tpu.vector_store %arg3[%swap3A, %swap3A_6], %dot_general3A_5 {strides = array<i32>} : memref<2000x128xf32, #tpu.memory_space<vmem>>, vector<2000x128xf32>,
    return
  }
  func.func @transform_0(%arg0: i32) -> (i32, i32) {
    %c0_i32 = arith.constant 0 : i32
    %c0_i32_0 = arith.constant 0 : i32
    return %arg0, %c0_i32 : i32, i32
  }
  func.func @transform_1(%arg0: i32) -> (i32, i32) {
    %c0_i32 = arith.constant 0 : i32
    %c0_i32_0 = arith.constant 0 : i32
    %c0_i32_1 = arith.constant 0 : i32
    return %c0_i32, %c0_i32_0 : i32, i32
  }
  func.func @transform_2(%arg0: i32) -> (i32, i32) {
    %c0_i32 = arith.constant 0 : i32
    %c0_i32_0 = arith.constant 0 : i32
    return %arg0, %c0_i32 : i32, i32
  }
}

module attributes {stable_mosaic.version = 14 : i64} {
  func.func @_g_body(%arg0: i32, %arg1: memref<2x2000x128xf32, #tpu.memory_space<vmem>>, %arg2: memref<2000x128xf32, #tpu.memory_space<vmem>>, %arg3: memref<128x128xf32, #tpu.memory_space<vmem>>, %arg4: memref<2000x128xf32, #tpu.memory_space<vmem>>) attributes {dimension_semantics = [#tpu.dimension_semantics<arbitrary>], iteration_bounds = array<i64: 5>, scalar_prefetch = 0 : i64, scratch_operands = 0 : i64, tpu.core_type = #tpu.core_type<tc>, window_params = [{transform_indices = @transform_0, window_bounds = array<i64: 2, 2000, 128>}, {transform_indices = @transform_1, window_bounds = array<i64: 2000, 128>}, {pipeline_mode = #tpu.pipeline_mode<synchronous>, transform_indices = @transform_2, window_bounds = array<i64: 128, 128>}, {transform_indices = @transform_3, window_bounds = array<i64: 2000, 128>}]} {
    %get3A = arith.constant 0 : index
    %get3A_0 = arith.constant 0 : index
    %get3A_1 = arith.constant 0 : index
    %get3A_2 = vector.load %arg1[%get3A, %get3A_0, %get3A_1] : memref<2x2000x128xf32, #tpu.memory_space<vmem>>, vector<1x2000x128xf32>
    %get3A_3 = vector.shape_cast %get3A_2 : vector<1x2000x128xf32> to vector<2000x128xf32>
    %get3A_4 = arith.constant 1 : index
    %get3A_5 = arith.constant 0 : index
    %get3A_6 = arith.constant 0 : index
    %get3A_7 = vector.load %arg1[%get3A_4, %get3A_5, %get3A_6] : memref<2x2000x128xf32, #tpu.memory_space<vmem>>, vector<1x2000x128xf32>
    %get3A_8 = vector.shape_cast %get3A_7 : vector<1x2000x128xf32> to vector<2000x128xf32>
    %add3A = arith.addf %get3A_3, %get3A_8 : vector<2000x128xf32>
    %get3A_9 = arith.constant 0 : index
    %get3A_10 = arith.constant 0 : index
    %get3A_11 = vector.load %arg2[%get3A_9, %get3A_10] : memref<2000x128xf32, #tpu.memory_space<vmem>>, vector<2000x128xf32>
    %get3A_12 = arith.constant 0 : index
    %get3A_13 = arith.constant 0 : index
    %get3A_14 = vector.load %arg3[%get3A_12, %get3A_13] : memref<128x128xf32, #tpu.memory_space<vmem>>, vector<128x128xf32>
    %dot_general3A = arith.constant dense<0.000000e+00> : vector<2000x128xf32>
    %dot_general3A_15 = tpu.matmul %add3A, %get3A_14, %dot_general3A {dimension_numbers = #tpu.dot_dimension_numbers<[1], [0], [0], [1], [0, 0, 1, 1], [], []>, transpose_lhs_hint = false} : vector<2000x128xf32>, vector<128x128xf32>, vector<2000x128xf32> -> vector<2000x128xf32>
    %mul3A = arith.mulf %get3A_11, %dot_general3A_15 : vector<2000x128xf32>
    %swap3A = arith.constant 0 : index
    %swap3A_16 = arith.constant 0 : index
    %swap3A_17 = vector.load %arg4[%swap3A, %swap3A_16] : memref<2000x128xf32, #tpu.memory_space<vmem>>, vector<2000x128xf32>
    tpu.vector_store %arg4[%swap3A, %swap3A_16], %mul3A {strides = array<i32>} : memref<2000x128xf32, #tpu.memory_space<vmem>>, vector<2000x128xf32>,
    return
  }
  func.func @transform_0(%arg0: i32) -> (i32, i32, i32) {
    %c0_i32 = arith.constant 0 : i32
    %c0_i32_0 = arith.constant 0 : i32
    %c0_i32_1 = arith.constant 0 : i32
    return %c0_i32, %arg0, %c0_i32_0 : i32, i32, i32
  }
  func.func @transform_1(%arg0: i32) -> (i32, i32) {
    %c0_i32 = arith.constant 0 : i32
    %c0_i32_0 = arith.constant 0 : i32
    return %arg0, %c0_i32 : i32, i32
  }
  func.func @transform_2(%arg0: i32) -> (i32, i32) {
    %c0_i32 = arith.constant 0 : i32
    %c0_i32_0 = arith.constant 0 : i32
    %c0_i32_1 = arith.constant 0 : i32
    return %c0_i32, %c0_i32_0 : i32, i32
  }
  func.func @transform_3(%arg0: i32) -> (i32, i32) {
    %c0_i32 = arith.constant 0 : i32
    %c0_i32_0 = arith.constant 0 : i32
    return %arg0, %c0_i32 : i32, i32
  }
}

module attributes {stable_mosaic.version = 14 : i64} {
  func.func @_out_body(%arg0: i32, %arg1: memref<2x2000x128xf32, #tpu.memory_space<vmem>>, %arg2: memref<2x2000x128xf32, #tpu.memory_space<vmem>>, %arg3: memref<128x128xf32, #tpu.memory_space<vmem>>, %arg4: memref<2000x128xf32, #tpu.memory_space<vmem>>) attributes {dimension_semantics = [#tpu.dimension_semantics<arbitrary>], iteration_bounds = array<i64: 5>, scalar_prefetch = 0 : i64, scratch_operands = 0 : i64, tpu.core_type = #tpu.core_type<tc>, window_params = [{transform_indices = @transform_0, window_bounds = array<i64: 2, 2000, 128>}, {transform_indices = @transform_1, window_bounds = array<i64: 2, 2000, 128>}, {pipeline_mode = #tpu.pipeline_mode<synchronous>, transform_indices = @transform_2, window_bounds = array<i64: 128, 128>}, {transform_indices = @transform_3, window_bounds = array<i64: 2000, 128>}]} {
    %get3A = arith.constant 0 : index
    %get3A_0 = arith.constant 0 : index
    %get3A_1 = arith.constant 0 : index
    %get3A_2 = vector.load %arg1[%get3A, %get3A_0, %get3A_1] : memref<2x2000x128xf32, #tpu.memory_space<vmem>>, vector<1x2000x128xf32>
    %get3A_3 = vector.shape_cast %get3A_2 : vector<1x2000x128xf32> to vector<2000x128xf32>
    %get3A_4 = arith.constant 1 : index
    %get3A_5 = arith.constant 0 : index
    %get3A_6 = arith.constant 0 : index
    %get3A_7 = vector.load %arg1[%get3A_4, %get3A_5, %get3A_6] : memref<2x2000x128xf32, #tpu.memory_space<vmem>>, vector<1x2000x128xf32>
    %get3A_8 = vector.shape_cast %get3A_7 : vector<1x2000x128xf32> to vector<2000x128xf32>
    %add3A = arith.addf %get3A_3, %get3A_8 : vector<2000x128xf32>
    %get3A_9 = arith.constant 0 : index
    %get3A_10 = arith.constant 0 : index
    %get3A_11 = arith.constant 0 : index
    %get3A_12 = vector.load %arg2[%get3A_9, %get3A_10, %get3A_11] : memref<2x2000x128xf32, #tpu.memory_space<vmem>>, vector<1x2000x128xf32>
    %get3A_13 = vector.shape_cast %get3A_12 : vector<1x2000x128xf32> to vector<2000x128xf32>
    %add3A_14 = arith.addf %add3A, %get3A_13 : vector<2000x128xf32>
    %get3A_15 = arith.constant 1 : index
    %get3A_16 = arith.constant 0 : index
    %get3A_17 = arith.constant 0 : index
    %get3A_18 = vector.load %arg2[%get3A_15, %get3A_16, %get3A_17] : memref<2x2000x128xf32, #tpu.memory_space<vmem>>, vector<1x2000x128xf32>
    %get3A_19 = vector.shape_cast %get3A_18 : vector<1x2000x128xf32> to vector<2000x128xf32>
    %add3A_20 = arith.addf %add3A_14, %get3A_19 : vector<2000x128xf32>
    %get3A_21 = arith.constant 0 : index
    %get3A_22 = arith.constant 0 : index
    %get3A_23 = vector.load %arg3[%get3A_21, %get3A_22] : memref<128x128xf32, #tpu.memory_space<vmem>>, vector<128x128xf32>
    %dot_general3A = arith.constant dense<0.000000e+00> : vector<2000x128xf32>
    %dot_general3A_24 = tpu.matmul %add3A_20, %get3A_23, %dot_general3A {dimension_numbers = #tpu.dot_dimension_numbers<[1], [0], [0], [1], [0, 0, 1, 1], [], []>, transpose_lhs_hint = false} : vector<2000x128xf32>, vector<128x128xf32>, vector<2000x128xf32> -> vector<2000x128xf32>
    %swap3A = arith.constant 0 : index
    %swap3A_25 = arith.constant 0 : index
    %swap3A_26 = vector.load %arg4[%swap3A, %swap3A_25] : memref<2000x128xf32, #tpu.memory_space<vmem>>, vector<2000x128xf32>
    tpu.vector_store %arg4[%swap3A, %swap3A_25], %dot_general3A_24 {strides = array<i32>} : memref<2000x128xf32, #tpu.memory_space<vmem>>, vector<2000x128xf32>,
    return
  }
  func.func @transform_0(%arg0: i32) -> (i32, i32, i32) {
    %c0_i32 = arith.constant 0 : i32
    %c0_i32_0 = arith.constant 0 : i32
    %c0_i32_1 = arith.constant 0 : i32
    return %c0_i32, %arg0, %c0_i32_0 : i32, i32, i32
  }
  func.func @transform_1(%arg0: i32) -> (i32, i32, i32) {
    %c0_i32 = arith.constant 0 : i32
    %c0_i32_0 = arith.constant 0 : i32
    %c0_i32_1 = arith.constant 0 : i32
    return %c0_i32, %arg0, %c0_i32_0 : i32, i32, i32
  }
  func.func @transform_2(%arg0: i32) -> (i32, i32) {
    %c0_i32 = arith.constant 0 : i32
    %c0_i32_0 = arith.constant 0 : i32
    %c0_i32_1 = arith.constant 0 : i32
    return %c0_i32, %c0_i32_0 : i32, i32
  }
  func.func @transform_3(%arg0: i32) -> (i32, i32) {
    %c0_i32 = arith.constant 0 : i32
    %c0_i32_0 = arith.constant 0 : i32
    return %arg0, %c0_i32 : i32, i32
  }
}

</mosaic_0001>

<sc_bundles>
// kernel: kernel.10.cloned.1.call-start
scs
__scs_entry_jumppad:
0x0: {  	(pc) =	sbr.rel $0x88, $3  }
0x1: {  	(tag) =	ssettag $0x0;
	lr =	simm.s32 $0x1  }
0x2: {  	[smem:$0x3F94] =	sst lr;
	_ =	strace $0xD0000000  }
0x3: {  	_ = 	snop  }
0x4: {  	_ = 	snop  }
0x5: {  	_ = 	snop  }
0x6: {  	_ = 	snop  }
0x7: {  	_ = 	snop  }
__scs_overlays_trampoline_lowered:
0x8: {  	[smem:$0x3FA3] =	sst s0  }
0x9: {  	[smem:$0x3FA4] =	sst s1  }
0xa: {  	[smem:$0x3FA5] =	sst s2  }
0xb: {  	[smem:$0x3FA6] =	sst s3  }
0xc: {  	[smem:$0x3FA7] =	sst s4  }
0xd: {  	[smem:$0x3FA8] =	sst s5  }
0xe: {  	[smem:$0x3FA9] =	sst s6  }
0xf: {  	[smem:$0x3FAA] =	sst s7  }
0x10: {  	[smem:$0x3FAB] =	sst s8  }
0x11: {  	[smem:$0x3FAC] =	sst s9;
	s0 =	simm.s32 @!p0 $0x0  }
0x12: {  	s1 =	sld [smem:$0x3F92];
	s0 =	simm.s32 @p0 $0x1  }
0x13: {  	[smem:$0x3FAD] =	sst s0;
	s0 =	simm.s32 @!p1 $0x0  }
0x14: {  	s2 =	sld [smem:$0x3F91];
	s0 =	simm.s32 @p1 $0x1  }
0x15: {  	[smem:$0x3FAE] =	sst s0;
	s0 =	simm.s32 @!p2 $0x0  }
0x16: {  	s3 =	sld [smem:$0x3FDB];
	s0 =	simm.s32 @p2 $0x1  }
0x17: {  	s4 =	simm.s32 $0x1BF5;
	[smem:$0x3FB0] =	sst s0  }
0x18: {  	s0 =	sld [smem:$0x3F93];
	_ =	swait.ge [sflag:s4], $0x0  }
0x19: {  	s7 =	sld [smem:$0x3F94]  }
0x1a: {  	s8 =	sadd.s32 $0xFFFFE003, lr  }
0x1b: {  	s9 =	sadd.s32 $0xFFFFFEF7, lr;
	s5 =	simm.s32 $0xFFFFFFFF;
	p2 =	slt.u32 s8, $0xFFFFF086  }
0x1c: {  	p1 =	slt.u32 s9, $0xF7A;
	s5 =	simm.s32 @!p2 $0x0  }
0x1d: {  	s5 =	simm.s32 @p1 $0x1;
	p0 =	seq.s32 s7, s2  }
0x1e: {  	s7 =	smul.u32 @!p0 $0xF7A, s2;
	p2 =	seq.s32 @!p0 s5, $0x0  }
0x1f: {  	s9 =	smul.u32 $0xF7A, s1;
	s8 =	simm.s32 @!p0 $0x1BF5;
	p2 =	por !p2, p0  }
0x20: {  	[sflag:s8] =	ssyncset.s32 @!p0 $0xFFFFF086;
	s6 =	sadd.s32 @!p0 s3, s7;
	s7 =	simm.s32 @!p0 $0x108  }
0x21: {  	s3 =	sadd.s32 s3, s9;
	s6 =	sadd.s32 @!p0 $0x88, s6;
	s7 =	simm.s32 @p2 $0x1082  }
0x22: {  	[simem:s7], [sflag:s8] =	dma.local @!p0 [hbm:s6], $0xF7A  }
0x23: {  	s9 =	sor.u32 $0xD0000000, s2;
	s6 =	simm.s32 $0x108;
	_ =	swait.ge @!p0 [sflag:s8], $0x0  }
0x24: {  	s3 =	sadd.s32 $0x88, s3;
	s6 =	simm.s32 @!p1 $0x1082;
	[sflag:s4] =	ssyncset.s32 $0xFFFFF086  }
0x25: {  	[simem:s6], [sflag:s4] =	dma.local [hbm:s3], $0xF7A  }
0x26: {  	[smem:$0x3F94] =	sst s1;
	(tag) =	ssettag s2;
	_ =	strace s9  }
0x27: {  	s1 =	sld [smem:$0x3FA4]  }
0x28: {  	s2 =	sld [smem:$0x3FA5]  }
0x29: {  	s4 =	sld [smem:$0x3FA7]  }
0x2a: {  	p0 =	seq.s32 s5, $0x0;
	s5 =	sld [smem:$0x3FA8]  }
0x2b: {  	s6 =	sld [smem:$0x3FA9]  }
0x2c: {  	s7 =	sld [smem:$0x3FAA]  }
0x2d: {  	s3 =	simm.s32 $0x108;
	s8 =	sld [smem:$0x3FAB]  }
0x2e: {  	s3 =	simm.s32 @!p0 $0x1082;
	s9 =	sld [smem:$0x3FAC]  }
0x2f: {  	lr =	sadd.s32 s0, s3;
	s0 =	sld [smem:$0x3FA3]  }
0x30: {  	s3 =	sld [smem:$0x3FA6]  }
0x31: {  	[smem:$0x3FAF] =	sst s10  }
0x32: {  	s10 =	sld [smem:$0x3FAD];
	_ =	sdelay $0x3  }
0x33: {  	p0 =	seq.s32 s10, $0x1;
	s10 =	sld [smem:$0x3FAF];
	_ =	sdelay $0x3  }
0x34: {  	[smem:$0x3FAF] =	sst s10  }
0x35: {  	s10 =	sld [smem:$0x3FAE];
	_ =	sdelay $0x3  }
0x36: {  	p1 =	seq.s32 s10, $0x1;
	s10 =	sld [smem:$0x3FAF];
	_ =	sdelay $0x3  }
0x37: {  	[smem:$0x3FAF] =	sst s10  }
0x38: {  	s10 =	sld [smem:$0x3FB0]  }
0x39: {  	_ = 	snop;
	(pc) =	sbr.ind lr, $3  }
0x3a: {  	_ = 	snop  }
0x3b: {  	_ = 	snop  }
0x3c: {  	p2 =	seq.s32 s10, $0x1;
	s10 =	sld [smem:$0x3FAF]  }
0x3d: {  	_ =	shalt  }
0x3e: {  	_ =	shalt  }
0x3f: {  	_ =	shalt  }
0x40: {  	_ =	shalt  }
0x41: {  	_ =	shalt  }
0x42: {  	_ =	shalt  }
0x43: {  	_ =	shalt  }
0x44: {  	_ =	shalt  }
0x45: {  	_ =	shalt  }
0x46: {  	_ =	shalt  }
0x47: {  	_ =	shalt  }
0x48: {  	_ =	shalt  }
0x49: {  	_ =	shalt  }
0x4a: {  	_ =	shalt  }
0x4b: {  	_ =	shalt  }
0x4c: {  	_ =	shalt  }
0x4d: {  	_ =	shalt  }
0x4e: {  	_ =	shalt  }
0x4f: {  	_ =	shalt  }
0x50: {  	_ =	shalt  }
0x51: {  	_ =	shalt  }
0x52: {  	_ =	shalt  }
0x53: {  	_ =	shalt  }
0x54: {  	_ =	shalt  }
0x55: {  	_ =	shalt  }
0x56: {  	_ =	shalt  }
0x57: {  	_ =	shalt  }
0x58: {  	_ =	shalt  }
0x59: {  	_ =	shalt  }
0x5a: {  	_ =	shalt  }
0x5b: {  	_ =	shalt  }
0x5c: {  	_ =	shalt  }
0x5d: {  	_ =	shalt  }
0x5e: {  	_ =	shalt  }
0x5f: {  	_ =	shalt  }
0x60: {  	_ =	shalt  }
0x61: {  	_ =	shalt  }
0x62: {  	_ =	shalt  }
0x63: {  	_ =	shalt  }
0x64: {  	_ =	shalt  }
0x65: {  	_ =	shalt  }
0x66: {  	_ =	shalt  }
0x67: {  	_ =	shalt  }
0x68: {  	_ =	shalt  }
0x69: {  	_ =	shalt  }
0x6a: {  	_ =	shalt  }
0x6b: {  	_ =	shalt  }
0x6c: {  	_ =	shalt  }
0x6d: {  	_ =	shalt  }
0x6e: {  	_ =	shalt  }
0x6f: {  	_ =	shalt  }
0x70: {  	_ =	shalt  }
0x71: {  	_ =	shalt  }
0x72: {  	_ =	shalt  }
0x73: {  	_ =	shalt  }
0x74: {  	_ =	shalt  }
0x75: {  	_ =	shalt  }
0x76: {  	_ =	shalt  }
0x77: {  	_ =	shalt  }
0x78: {  	_ =	shalt  }
0x79: {  	_ =	shalt  }
0x7a: {  	_ =	shalt  }
0x7b: {  	_ =	shalt  }
0x7c: {  	_ =	shalt  }
0x7d: {  	_ =	shalt  }
0x7e: {  	_ =	shalt  }
0x7f: {  	_ =	shalt  }
0x80: {  	_ =	shalt  }
0x81: {  	_ =	shalt  }
0x82: {  	_ =	shalt  }
0x83: {  	_ =	shalt  }
0x84: {  	_ =	shalt  }
0x85: {  	_ =	shalt  }
0x86: {  	_ =	shalt  }
0x87: {  	_ =	shalt  }
.Lfunc_end0:
.L_simem_size_0:
called_computation_lowered:
.L_overlay_start_0:
0x88: {  	s2 =	sld [smem:$0x3FD9]  }
0x89: {  	s3 =	sld [smem:$0x3FFE];
	_ =	sdelay $0x1  }
0x8a: {  	s1 =	srdreg.scid  }
0x8b: {  	s0 =	sand.u32 $0x1, s1  }
0x8c: {  	s17 =	sshll.u32 s0, $0xA;
	s2 =	sadd.s32 s3, s2  }
0x8d: {  	s2 =	sadd.s32 s2, s17  }
0x8e: {  	[smem:$0x3FBB] =	sst s2  }
0x8f: {  	_ = 	snop  }
0x90: {  	s18 =	sld [smem:$0x3FD0];
	(tm) =	ssettm $0x1  }
0x91: {  	s19 =	sld [smem:$0x3FFB];
	_ =	sdelay $0x3  }
0x92: {  	_ =	strace s19  }
0x93: {  	s2 =	sld [smem:$0x3FFC];
	_ =	sdelay $0x3  }
0x94: {  	_ =	strace s2  }
0x95: {  	s2 =	sld [smem:$0x3FFD];
	_ =	sdelay $0x3  }
0x96: {  	_ =	strace s2  }
0x97: {  	_ =	strace $0x8FFFFFFF  }
0x98: {  	s20 =	sld [smem:$0x3FDB];
	_ =	sdelay $0x1  }
0x99: {  	s4 =	simm.s32 $_scs_section_size  }
0x9a: {  	s5 =	simm.s32 $_size__tile_overlayer_lowered;
	s6 =	simm.s32 $_tile_overlayer_lowered  }
0x9b: {  	s7 =	simm.s32 $0x1BFF;
	s21 =	sshll.u32 s6, $0x1;
	s4 =	sadd.s32 s4, s20  }
0x9c: {  	s22 =	simm.s32 $0x0;
	s5 =	sshll.u32 s5, $0x1;
	s6 =	sadd.s32 s21, s4  }
0x9d: {  	[timem:s22], [sflag:s7] =	dma.local [hbm:s6], s5  }
0x9e: {  	_ =	swait.ge [sflag:s7], s5  }
0x9f: {  	s5 =	ssub.s32 $0x0, s5;
	[sflag:s7] =	ssyncset.done $0x0  }
0xa0: {  	[sflag:s7] =	ssyncadd.s32 s5;
	_ =	sdelay $0x1  }
0xa1: {  	s23 =	simm.s32 $0x1B8B  }
0xa2: {  	_ =	swait.ge [sflag:s23], $0x1  }
0xa3: {  	[sflag:s23] =	ssyncset.done $0x0  }
0xa4: {  	[sflag:s23] =	ssyncadd.s32 $0xFFFFFFFF  }
0xa5: {  	s5 =	sld [smem:$0x0]  }
0xa6: {  	s6 =	sand.u32 $0xFFFFFFFE, s1  }
0xa7: {  	p0 =	sne.s32 s1, s6  }
0xa8: {  	s6 =	sshll.u32 @p0 s6, $0xE  }
0xa9: {  	s6 =	sadd.s32 @p0 $0x11B8D, s6;
	s7 =	sshll.u32 @p0 s5, $0x11  }
0xaa: {  	s6 =	sor.u32 @p0 s7, s6  }
0xab: {  	[sflag:s6] =	ssyncadd.remote.s32 @p0 $0x1;
	_ =	sdelay $0x1  }
0xac: {  	s6 =	simm.s32 @p0 $0x1B8D  }
0xad: {  	_ =	swait.eq @p0 [sflag:s6], $0x1  }
0xae: {  	[sflag:s6] =	ssyncadd.s32 @p0 $0xFFFFFFFF  }
0xaf: {  	s7 =	sshll.u32 @!p0 s1, $0xE  }
0xb0: {  	s7 =	sor.u32 @!p0 $0x4000, s7;
	s6 =	simm.s32 @!p0 $0x1B8D  }
0xb1: {  	s5 =	sshll.u32 @!p0 s5, $0x11;
	s7 =	sadd.s32 @!p0 $0x11B8D, s7;
	_ =	swait.eq @!p0 [sflag:s6], $0x1  }
0xb2: {  	s5 =	sor.u32 @!p0 s5, s7;
	[sflag:s6] =	ssyncadd.s32 @!p0 $0xFFFFFFFF  }
0xb3: {  	s25 =	simm.s32 $0x1B8E;
	s24 =	sld [smem:$0x3FFE];
	[sflag:s5] =	ssyncadd.remote.s32 @!p0 $0x1  }
0xb4: {  	s26 =	simm.s32 $execute0_lowered;
	[smem:$0x3FD2] =	sst s25  }
0xb5: {  	s6 =	sshll.u32 s26, $0x1;
	_ =	strace $0x80000049;
	[dreg:$0x1] =	wrdreg $0xFFFFFFFF  }
0xb6: {  	s28 =	simm.s32 $_size_execute0_lowered;
	s4 =	sadd.s32 s4, s6;
	[dreg:$0x0] =	wrdreg $0x0  }
0xb7: {  	s6 =	sshll.u32 s28, $0x1;
	[dreg:$0x2] =	wrdreg s4  }
0xb8: {  	[dreg:$0x3] =	wrdreg s6  }
0xb9: {  	[dreg:$0x4] =	wrdreg $0xC0  }
0xba: {  	_ =	task [dreg:s22], $0x5FFFF  }
0xbb: {  	[dreg:$0x1] =	wrdreg $0xFFFFFFFF  }
0xbc: {  	[dreg:$0x0] =	wrdreg $0x60  }
0xbd: {  	[dreg:$0x2] =	wrdreg s24  }
0xbe: {  	[dreg:$0x3] =	wrdreg s18  }
0xbf: {  	[dreg:$0x4] =	wrdreg $0x9E200  }
0xc0: {  	[dreg:$0x5] =	wrdreg $0x9  }
0xc1: {  	_ =	task.clear_ibuf [dreg:s22], $0x6FFFF;
	_ =	strace $0x90000049  }
0xc2: {  	s29 =	simm.s32 $0x9;
	_ =	strace $0x8000004B  }
0xc3: {  	_ =	swait.ge [sflag:s29], $0x1  }
0xc4: {  	[sflag:s29] =	ssyncadd.s32 $0xFFFFFFFF  }
0xc5: {  	_ =	strace $0x9000004B  }
0xc6: {  	_ =	sfence  }
0xc7: {  	s30 =	sld [smem:$0x0];
	_ =	sdelay $0x2  }
0xc8: {  	s31 =	sshll.u32 s1, $0xD;
	s1 =	sshrl.u32 s1, $0x2  }
0xc9: {  	s4 =	sand.u32 $0x4000, s31;
	s1 =	sadd.s32 s1, s30  }
0xca: {  	s0 =	sor.u32 s4, s0;
	s1 =	sshll.u32 s1, $0x11  }
0xcb: {  	s0 =	sor.u32 s1, s0  }
0xcc: {  	s0 =	sadd.s32 $0x8F2B, s0  }
0xcd: {  	[sflag:s0] =	ssyncadd.remote.s32 $0x1  }
0xce: {  	_ =	sfence.sel $0xFFFF  }
0xcf: {  	[dreg:$0x0] =	wrdreg $0xFFFFFFFF;
	(pc) =	sbr.abs _section_cstart, $3  }
0xd0: {  	[dreg:$0x1] =	wrdreg $0xFFFFFFFF  }
0xd1: {  	_ =	task.clear_ibuf [dreg:s22], $0x2FFFF;
	_ =	strace $0x9FFFFFFF  }
0xd2: {  	(tm) =	ssettm $0x7FFFFFFF  }
0xd3: {  	_ =	shalt  }
tec
execute0_lowered:
.L_overlay_start_1:
0x0: {  	(tag) =	ssettag $0x1  }
0x1: {  	s0 =	srdreg.scid;
	s1 =	rddreg [dreg:$0x0]  }
0x2: {  	s12 =	stileid.u32;
	s2 =	rddreg [dreg:$0x1];
	s4 =	simm.s32 $0x0  }
0x3: {  	s16 =	simm.s32 $0x7;
	s18 =	simm.s32 $0x28;
	s19 =	simm.s32 $0x4E20  }
0x4: {  	s28 =	simm.s32 $0x5;
	s29 =	simm.s32 $0x6;
	s30 =	simm.s32 $0x0  }
0x5: {  	s0 =	sand.u32 $0x1, s0;
	s3 =	sshll.u32 s12, $0x1;
	s8 =	smul.u32 $0x13880, s12  }
0x6: {  	[smem:$0x7FF] =	sst s4;
	s5 =	sadd.s32 $0x16000, s1;
	s22 =	sshll.u32 s12, $0x6  }
0x7: {  	s6 =	sor.u32 s0, s3;
	s3 =	rddreg [dreg:$0x2];
	s9 =	smul.u32 $0x138800, s0  }
0x8: {  	_ =	strace $0x8000004A;
	s0 =	ssub.s32 $0x2, s0;
	s7 =	smul.u32 $0x4E2, s6  }
0x9: {  	s21 =	sshrl.u32 s8, $0x3;
	s11 =	sshrl.u32 s0, $0x1;
	s23 =	smul.u32 $0x138800, s6  }
0xa: {  	s15 =	sadd.s32 s8, s3;
	s25 =	smul.u32 $0x27100, s6;
	s20 =	sadd.s32 s8, s9  }
0xb: {  	s9 =	sadd.s32 s21, s1;
	s0 =	ssub.s32 s0, s11;
	s8 =	smul.u32 $0xFA, s6  }
0xc: {  	s15 =	sshrl.u32 s15, $0x3;
	s21 =	simm.s32 $0x6220;
	s10 =	sadd.s32 s7, s1  }
0xd: {  	s7 =	sshrl.u32 s20, $0x3;
	s24 =	sadd.s32 $0xEF8000, s9;
	s31 =	sshrl.u32 s23, $0x3  }
0xe: {  	s11 =	sadd.s32 s5, s25;
	s14 =	smax.u32 s0, $0x1;
	s20 =	simm.s32 $0x7620  }
.Ltmp0:
0xf: {  	s23 =	simm.s32 $0x1;
	s25 =	simm.s32 $0x2;
	(pc) =	sbr.rel .LBB2_1-.Ltmp0, $4  }
0x10: {  	s1 =	sadd.s32 s7, s1;
	[dreg:$0x4] =	wrdreg s24;
	s7 =	sor.u32 $0x1C07, s22  }
0x11: {  	s26 =	sadd.s32 $0xF77200, s10;
	s10 =	sadd.s32 $0xF6D400, s10;
	s6 =	sadd.s32 s5, s31  }
0x12: {  	s22 =	simm.s32 $0x8A20;
	s24 =	simm.s32 $0x3;
	[dreg:$0x5] =	wrdreg s26  }
0x13: {  	s12 =	sadd.s32 $0x280, s6;
	s13 =	sadd.s32 $0xF81000, s1;
	s26 =	simm.s32 $0x4  }
.LBB2_8:
0x14: {  	_ =	swait.ge [sflag:s29], $0x1400  }
0x15: {  	s30 =	sadd.s32 $0x1, s30;
	[sflag:s29] =	ssyncset.done $0x0  }
0x16: {  	p0 =	sne.s32 s30, s14;
	[sflag:s29] =	ssyncadd.s32 $0xFFFFEC00  }
.Ltmp1:
0x17: {  	[bflag:$0x0] =	sbarrier.arrive $0xFFFF;
	(pc) =	sbr.rel @!p0 .LBB2_9-.Ltmp1, $4  }
0x18: {  	[hbm:s13], [sflag:s7] =	dma.local [spmem:s15], $0x2710  }
0x19: {  	_ =	swait.ge [sflag:s16], $0x2710  }
0x1a: {  	[sflag:s16] =	ssyncset.done $0x0  }
0x1b: {  	[sflag:s16] =	ssyncadd.s32 $0xFFFFD8F0  }
.LBB2_1:
0x1c: {  	s0 =	rddreg [dreg:$0x4]  }
0x1d: {  	[spmem:s15], [sflag:s7] =	dma.local [hbm:s0], $0x2710  }
0x1e: {  	_ =	swait.ge [sflag:s16], $0x2710  }
0x1f: {  	[sflag:s16] =	ssyncset.done $0x0  }
0x20: {  	[sflag:s16] =	ssyncadd.s32 $0xFFFFD8F0  }
0x21: {  	[bflag:$0x0] =	sbarrier.arrive $0xFFFF  }
0x22: {  	s9 =	rddreg [dreg:$0x5]  }
0x23: {  	[tilespmem:s4], [sflag:$0x7] =	stream.linear.gather [hbm4b:s9+s4], $0x2710, $0x38;
	[tilespmem:$0x1D6A0] =	vst v63  }
0x24: {  	_ =	swait.ge [sflag:s16], $0x2710  }
0x25: {  	[sflag:s16] =	ssyncset.done $0x0  }
0x26: {  	s17 =	simm.s32 $0x2710;
	[sflag:s16] =	ssyncadd.s32 $0xFFFFD8F0  }
0x27: {  	[tilespmem:s17], [sflag:$0x7] =	stream.linear.gather [hbm4b:s10+s4], $0x2710, $0x38;
	[tilespmem:$0x1D6A0] =	vst v63  }
0x28: {  	_ =	swait.ge [sflag:s16], $0x2710  }
0x29: {  	[sflag:s16] =	ssyncset.done $0x0  }
0x2a: {  	[sflag:s16] =	ssyncadd.s32 $0xFFFFD8F0  }
0x2b: {  	[tilespmem:s19], [sflag:$0x1] =	stream.indirect.gather [hbm4b:s2+s18], $0x80, s4, s18, $0xb8;
	[tilespmem:$0x1D6A0] =	vst v63  }
0x2c: {  	_ = 	snop  }
0x2d: {  	[tilespmem:s20], [sflag:$0x3] =	stream.linear.gather [hbm4b:s11+s4], $0x1400, $0x38;
	[tilespmem:$0x1D6A0] =	vst v63  }
0x2e: {  	_ = 	snop  }
0x2f: {  	[tilespmem:s21], [sflag:$0x2] =	stream.indirect.gather [hbm4b:s2+s18], $0x80, s18, s18, $0xb8;
	[tilespmem:$0x1D6A0] =	vst v63  }
0x30: {  	s31 =	simm.s32 $0x0  }
0x31: {  	[tilespmem:s22], [sflag:$0x4] =	stream.linear.gather [hbm4b:s12+s4], $0x1400, $0x38;
	[tilespmem:$0x1D6A0] =	vst v63  }
.LBB2_2:
0x32: {  	_ =	swait.ge [sflag:s23], $0x1400  }
0x33: {  	[sflag:s23] =	ssyncset.done $0x0  }
0x34: {  	[sflag:s23] =	ssyncadd.s32 $0xFFFFEC00  }
0x35: {  	_ =	swait.ge [sflag:s24], $0x1400  }
0x36: {  	[sflag:s24] =	ssyncset.done $0x0  }
0x37: {  	s17 =	simm.s32 $0x0;
	[sflag:s24] =	ssyncadd.s32 $0xFFFFEC00  }
0x38: {  	v7 =	vld [tilespmem:s17+$0x7620]  }
0x39: {  	v11 =	vld [tilespmem:s17+$0x7630]  }
0x3a: {  	v5 =	vld [tilespmem:s17+$0x7640]  }
0x3b: {  	v4 =	vld [tilespmem:s17+$0x7650]  }
0x3c: {  	v3 =	vld [tilespmem:s17+$0x7660]  }
0x3d: {  	v2 =	vld [tilespmem:s17+$0x7670]  }
0x3e: {  	v1 =	vld [tilespmem:s17+$0x7680]  }
0x3f: {  	v0 =	vld [tilespmem:s17+$0x7690]  }
0x40: {  	v12 =	vld [tilespmem:s17+$0x4E20]  }
0x41: {  	v13 =	vld [tilespmem:s17+$0x4E30]  }
0x42: {  	v10 =	vld [tilespmem:s17+$0x4E40]  }
0x43: {  	v9 =	vld [tilespmem:s17+$0x4E50]  }
0x44: {  	v8 =	vld [tilespmem:s17+$0x4E60]  }
0x45: {  	v6 =	vld [tilespmem:s17+$0x4E70];
	v12 =	vmul.f32 v7, v12  }
0x46: {  	s0 =	simm.s32 $0x200;
	v11 =	vmul.f32 v11, v13;
	v7 =	vld [tilespmem:s17+$0x4E80]  }
.LBB2_3:
0x47: {  	s1 =	sshra.s32 s0, $0x2;
	p0 =	sne.s32 s0, $0x4E00;
	[tilespmem:s17+$0x4E20] =	vst v12;
	v5 =	vmul.f32 v5, v10;
	v10 =	vld [tilespmem:s17+$0x4E90]  }
0x48: {  	v12 =	vld [tilespmem:s1+$0x7620];
	[tilespmem:s17+$0x4E30] =	vst v11;
	v4 =	vmul.f32 v4, v9  }
0x49: {  	v11 =	vld [tilespmem:s1+$0x7630];
	[tilespmem:s17+$0x4E40] =	vst v5;
	v3 =	vmul.f32 v3, v8  }
0x4a: {  	v5 =	vld [tilespmem:s1+$0x7640];
	[tilespmem:s17+$0x4E50] =	vst v4;
	v2 =	vmul.f32 v2, v6  }
0x4b: {  	v4 =	vld [tilespmem:s1+$0x7650];
	[tilespmem:s17+$0x4E60] =	vst v3;
	v1 =	vmul.f32 v1, v7  }
0x4c: {  	v3 =	vld [tilespmem:s1+$0x7660];
	[tilespmem:s17+$0x4E70] =	vst v2;
	v0 =	vmul.f32 v0, v10  }
0x4d: {  	v2 =	vld [tilespmem:s1+$0x7670];
	[tilespmem:s17+$0x4E80] =	vst v1  }
0x4e: {  	v1 =	vld [tilespmem:s1+$0x7680];
	[tilespmem:s17+$0x4E90] =	vst v0;
	s17 =	smov.u32 s1  }
0x4f: {  	v0 =	vld [tilespmem:s17+$0x7690]  }
0x50: {  	v6 =	vld [tilespmem:s17+$0x4E20]  }
0x51: {  	v7 =	vld [tilespmem:s17+$0x4E30]  }
.Ltmp2:
0x52: {  	v10 =	vld [tilespmem:s17+$0x4E40];
	(pc) =	sbr.rel @p0 .LBB2_3-.Ltmp2, $4  }
0x53: {  	v9 =	vld [tilespmem:s17+$0x4E50]  }
0x54: {  	v8 =	vld [tilespmem:s17+$0x4E60]  }
0x55: {  	v12 =	vmul.f32 v12, v6;
	v6 =	vld [tilespmem:s17+$0x4E70]  }
0x56: {  	s0 =	sadd.s32 $0x200, s0;
	v11 =	vmul.f32 v11, v7;
	v7 =	vld [tilespmem:s17+$0x4E80]  }
0x57: {  	[tilespmem:s17+$0x4E20] =	vst v12;
	v5 =	vmul.f32 v5, v10;
	v10 =	vld [tilespmem:s17+$0x4E90]  }
0x58: {  	[tilespmem:s17+$0x4E30] =	vst v11;
	v4 =	vmul.f32 v4, v9  }
0x59: {  	[tilespmem:s17+$0x4E40] =	vst v5;
	v3 =	vmul.f32 v3, v8  }
0x5a: {  	[tilespmem:s17+$0x4E50] =	vst v4;
	v2 =	vmul.f32 v2, v6  }
0x5b: {  	s1 =	smul.u32 $0x140, s31;
	[tilespmem:s17+$0x4E60] =	vst v3;
	v1 =	vmul.f32 v1, v7  }
0x5c: {  	[tilespmem:s17+$0x4E70] =	vst v2;
	v0 =	vmul.f32 v0, v10  }
0x5d: {  	s0 =	sshra.s32 s1, $0x2;
	[tilespmem:s17+$0x4E80] =	vst v1  }
0x5e: {  	s6 =	sadd.s32 $0x2710, s0;
	[tilespmem:s17+$0x4E90] =	vst v0  }
0x5f: {  	[spmem:s3] =	stream.indirect.scatter.add.f32 [tilespmem:s19], [sflag:$0x5], $0x80, s6, s18, $0xb8;
	[tilespmem:$0x1D6A0] =	vst v63  }
0x60: {  	_ =	swait.ge [sflag:s25], $0x1400  }
0x61: {  	[sflag:s25] =	ssyncset.done $0x0  }
0x62: {  	[sflag:s25] =	ssyncadd.s32 $0xFFFFEC00  }
0x63: {  	_ =	swait.ge [sflag:s26], $0x1400  }
0x64: {  	[sflag:s26] =	ssyncset.done $0x0  }
0x65: {  	s17 =	simm.s32 $0x0;
	[sflag:s26] =	ssyncadd.s32 $0xFFFFEC00  }
0x66: {  	v7 =	vld [tilespmem:s17+$0x8A20]  }
0x67: {  	v11 =	vld [tilespmem:s17+$0x8A30]  }
0x68: {  	v5 =	vld [tilespmem:s17+$0x8A40]  }
0x69: {  	v4 =	vld [tilespmem:s17+$0x8A50]  }
0x6a: {  	v3 =	vld [tilespmem:s17+$0x8A60]  }
0x6b: {  	v2 =	vld [tilespmem:s17+$0x8A70]  }
0x6c: {  	v1 =	vld [tilespmem:s17+$0x8A80]  }
0x6d: {  	v0 =	vld [tilespmem:s17+$0x8A90]  }
0x6e: {  	v12 =	vld [tilespmem:s17+$0x6220]  }
0x6f: {  	v13 =	vld [tilespmem:s17+$0x6230]  }
0x70: {  	v10 =	vld [tilespmem:s17+$0x6240]  }
0x71: {  	v9 =	vld [tilespmem:s17+$0x6250]  }
0x72: {  	v8 =	vld [tilespmem:s17+$0x6260]  }
0x73: {  	v6 =	vld [tilespmem:s17+$0x6270];
	v12 =	vmul.f32 v7, v12  }
0x74: {  	s6 =	simm.s32 $0x200;
	v11 =	vmul.f32 v11, v13;
	v7 =	vld [tilespmem:s17+$0x6280]  }
.LBB2_5:
0x75: {  	s9 =	sshra.s32 s6, $0x2;
	p0 =	sne.s32 s6, $0x4E00;
	[tilespmem:s17+$0x6220] =	vst v12;
	v5 =	vmul.f32 v5, v10;
	v10 =	vld [tilespmem:s17+$0x6290]  }
0x76: {  	v12 =	vld [tilespmem:s9+$0x8A20];
	[tilespmem:s17+$0x6230] =	vst v11;
	v4 =	vmul.f32 v4, v9  }
0x77: {  	v11 =	vld [tilespmem:s9+$0x8A30];
	[tilespmem:s17+$0x6240] =	vst v5;
	v3 =	vmul.f32 v3, v8  }
0x78: {  	v5 =	vld [tilespmem:s9+$0x8A40];
	[tilespmem:s17+$0x6250] =	vst v4;
	v2 =	vmul.f32 v2, v6  }
0x79: {  	v4 =	vld [tilespmem:s9+$0x8A50];
	[tilespmem:s17+$0x6260] =	vst v3;
	v1 =	vmul.f32 v1, v7  }
0x7a: {  	v3 =	vld [tilespmem:s9+$0x8A60];
	[tilespmem:s17+$0x6270] =	vst v2;
	v0 =	vmul.f32 v0, v10  }
0x7b: {  	v2 =	vld [tilespmem:s9+$0x8A70];
	[tilespmem:s17+$0x6280] =	vst v1  }
0x7c: {  	v1 =	vld [tilespmem:s9+$0x8A80];
	[tilespmem:s17+$0x6290] =	vst v0;
	s17 =	smov.u32 s9  }
0x7d: {  	v0 =	vld [tilespmem:s17+$0x8A90]  }
0x7e: {  	v6 =	vld [tilespmem:s17+$0x6220]  }
0x7f: {  	v7 =	vld [tilespmem:s17+$0x6230]  }
.Ltmp3:
0x80: {  	v10 =	vld [tilespmem:s17+$0x6240];
	(pc) =	sbr.rel @p0 .LBB2_5-.Ltmp3, $4  }
0x81: {  	v9 =	vld [tilespmem:s17+$0x6250]  }
0x82: {  	v8 =	vld [tilespmem:s17+$0x6260]  }
0x83: {  	v12 =	vmul.f32 v12, v6;
	v6 =	vld [tilespmem:s17+$0x6270]  }
0x84: {  	s6 =	sadd.s32 $0x200, s6;
	v11 =	vmul.f32 v11, v7;
	v7 =	vld [tilespmem:s17+$0x6280]  }
0x85: {  	[tilespmem:s17+$0x6220] =	vst v12;
	v5 =	vmul.f32 v5, v10;
	v63 =	vld [tilespmem:s17+$0x6290]  }
0x86: {  	[tilespmem:s17+$0x6230] =	vst v11;
	v4 =	vmul.f32 v4, v9  }
0x87: {  	[tilespmem:s17+$0x6240] =	vst v5;
	v3 =	vmul.f32 v3, v8  }
0x88: {  	[tilespmem:s17+$0x6250] =	vst v4;
	v2 =	vmul.f32 v2, v6  }
0x89: {  	[tilespmem:s17+$0x6260] =	vst v3;
	v1 =	vmul.f32 v1, v7  }
0x8a: {  	[tilespmem:s17+$0x6270] =	vst v2;
	v0 =	vmul.f32 v0, v63  }
0x8b: {  	p0 =	seq.s32 s31, $0x7C;
	[tilespmem:s17+$0x6280] =	vst v1  }
.Ltmp4:
0x8c: {  	s0 =	sadd.s32 $0x2738, s0;
	[tilespmem:s17+$0x6290] =	vst v0;
	(pc) =	sbr.rel @p0 .LBB2_8-.Ltmp4, $4  }
0x8d: {  	[spmem:s3] =	stream.indirect.scatter.add.f32 [tilespmem:s21], [sflag:$0x6], $0x80, s0, s18, $0xb8;
	[tilespmem:$0x1D6A0] =	vst v63  }
0x8e: {  	_ =	swait.ge [sflag:s28], $0x1400  }
0x8f: {  	[sflag:s28] =	ssyncset.done $0x0  }
0x90: {  	[sflag:s28] =	ssyncadd.s32 $0xFFFFEC00  }
0x91: {  	s0 =	sshll.u32 s31, $0x1  }
0x92: {  	s6 =	sadd.s32 $0x2, s0  }
0x93: {  	s9 =	smul.u32 $0xA0, s6  }
0x94: {  	s6 =	sadd.s32 s8, s6  }
0x95: {  	s6 =	smul.u32 $0x280, s6;
	s9 =	sshra.s32 s9, $0x2  }
0x96: {  	[tilespmem:s19], [sflag:$0x1] =	stream.indirect.gather [hbm4b:s2+s18], $0x80, s9, s18, $0xb8;
	[tilespmem:$0x1D6A0] =	vst v63  }
0x97: {  	s0 =	sadd.s32 s8, s0;
	s6 =	sadd.s32 s5, s6  }
0x98: {  	[tilespmem:s20], [sflag:$0x3] =	stream.linear.gather [hbm4b:s6+s4], $0x1400, $0x38;
	[tilespmem:$0x1D6A0] =	vst v63  }
0x99: {  	s0 =	smul.u32 $0x280, s0;
	_ =	swait.ge [sflag:s29], $0x1400  }
.Ltmp5:
0x9a: {  	s1 =	sadd.s32 $0x1E0, s1;
	[sflag:s29] =	ssyncset.done $0x0;
	(pc) =	sbr.rel .LBB2_2-.Ltmp5, $4  }
0x9b: {  	s1 =	sshra.s32 s1, $0x2;
	s0 =	sadd.s32 s5, s0;
	[sflag:s29] =	ssyncadd.s32 $0xFFFFEC00  }
0x9c: {  	[tilespmem:s21], [sflag:$0x2] =	stream.indirect.gather [hbm4b:s2+s18], $0x80, s1, s18, $0xb8;
	[tilespmem:$0x1D6A0] =	vst v63  }
0x9d: {  	s31 =	sadd.s32 $0x1, s31;
	s0 =	sadd.s32 $0x780, s0  }
0x9e: {  	[tilespmem:s22], [sflag:$0x4] =	stream.linear.gather [hbm4b:s0+s4], $0x1400, $0x38;
	[tilespmem:$0x1D6A0] =	vst v63  }
.LBB2_9:
0x9f: {  	_ =	sfence.sel $0x180000  }
0xa0: {  	[bflag:$0x0] =	sbarrier.arrive $0xFFFF  }
0xa1: {  	_ =	strace $0x9000004A  }
0xa2: {  	s0 =	stileid.u32;
	[bflag:$0x2] =	sbarrier.arrive $0xFFFF  }
0xa3: {  	p0 =	sne.s32 s0, $0x0;
	s0 =	rddreg [dreg:$0x3]  }
0xa4: {  	s0 =	sadd.s32 @!p0 $0x100000, s0  }
0xa5: {  	[sflag:s0] =	ssyncadd.tile.s32 @!p0 $0x1;
	_ =	shalt  }
.Lfunc_end2:
_tile_overlayer_lowered:
.L_overlay_start_2:
0xa6: {  	(tag) =	ssettag $0x2  }
0xa7: {  	s0 =	rddreg [dreg:$0x0];
	s2 =	stileid.u32  }
0xa8: {  	s1 =	rddreg [dreg:$0x1];
	p0 =	sne.s32 s2, $0x0  }
0xa9: {  	s3 =	rddreg [dreg:$0x2];
	[bflag:$0x3] =	sbarrier.arrive $0xFFFF;
	s2 =	simm.s32 @!p0 $0x1C07  }
0xaa: {  	[timem:s3], [sflag:s2] =	dma.local @!p0 [hbm:s0], s1  }
0xab: {  	s0 =	simm.s32 @!p0 $0x7  }
0xac: {  	_ =	swait.ge @!p0 [sflag:s0], s1  }
0xad: {  	s1 =	ssub.s32 @!p0 $0x0, s1;
	[sflag:s0] =	ssyncset.done @!p0 $0x0  }
0xae: {  	[sflag:s0] =	ssyncadd.s32 @!p0 s1  }
0xaf: {  	[bflag:$0x3] =	sbarrier.arrive $0xFFFF  }
0xb0: {  	_ =	shalt  }

// kernel: kernel.13.cloned.1.call-start
scs
__scs_entry_jumppad:
0x0: {  	(pc) =	sbr.rel $0x88, $3  }
0x1: {  	(tag) =	ssettag $0x0;
	lr =	simm.s32 $0x1  }
0x2: {  	[smem:$0x3F94] =	sst lr;
	_ =	strace $0xD0000000  }
0x3: {  	_ = 	snop  }
0x4: {  	_ = 	snop  }
0x5: {  	_ = 	snop  }
0x6: {  	_ = 	snop  }
0x7: {  	_ = 	snop  }
__scs_overlays_trampoline_lowered:
0x8: {  	[smem:$0x3FA3] =	sst s0  }
0x9: {  	[smem:$0x3FA4] =	sst s1  }
0xa: {  	[smem:$0x3FA5] =	sst s2  }
0xb: {  	[smem:$0x3FA6] =	sst s3  }
0xc: {  	[smem:$0x3FA7] =	sst s4  }
0xd: {  	[smem:$0x3FA8] =	sst s5  }
0xe: {  	[smem:$0x3FA9] =	sst s6  }
0xf: {  	[smem:$0x3FAA] =	sst s7  }
0x10: {  	[smem:$0x3FAB] =	sst s8  }
0x11: {  	[smem:$0x3FAC] =	sst s9;
	s0 =	simm.s32 @!p0 $0x0  }
0x12: {  	s1 =	sld [smem:$0x3F92];
	s0 =	simm.s32 @p0 $0x1  }
0x13: {  	[smem:$0x3FAD] =	sst s0;
	s0 =	simm.s32 @!p1 $0x0  }
0x14: {  	s2 =	sld [smem:$0x3F91];
	s0 =	simm.s32 @p1 $0x1  }
0x15: {  	[smem:$0x3FAE] =	sst s0;
	s0 =	simm.s32 @!p2 $0x0  }
0x16: {  	s3 =	sld [smem:$0x3FDB];
	s0 =	simm.s32 @p2 $0x1  }
0x17: {  	s4 =	simm.s32 $0x1BF5;
	[smem:$0x3FB0] =	sst s0  }
0x18: {  	s0 =	sld [smem:$0x3F93];
	_ =	swait.ge [sflag:s4], $0x0  }
0x19: {  	s7 =	sld [smem:$0x3F94]  }
0x1a: {  	s8 =	sadd.s32 $0xFFFFE003, lr  }
0x1b: {  	s9 =	sadd.s32 $0xFFFFFEF7, lr;
	s5 =	simm.s32 $0xFFFFFFFF;
	p2 =	slt.u32 s8, $0xFFFFF086  }
0x1c: {  	p1 =	slt.u32 s9, $0xF7A;
	s5 =	simm.s32 @!p2 $0x0  }
0x1d: {  	s5 =	simm.s32 @p1 $0x1;
	p0 =	seq.s32 s7, s2  }
0x1e: {  	s7 =	smul.u32 @!p0 $0xF7A, s2;
	p2 =	seq.s32 @!p0 s5, $0x0  }
0x1f: {  	s9 =	smul.u32 $0xF7A, s1;
	s8 =	simm.s32 @!p0 $0x1BF5;
	p2 =	por !p2, p0  }
0x20: {  	[sflag:s8] =	ssyncset.s32 @!p0 $0xFFFFF086;
	s6 =	sadd.s32 @!p0 s3, s7;
	s7 =	simm.s32 @!p0 $0x108  }
0x21: {  	s3 =	sadd.s32 s3, s9;
	s6 =	sadd.s32 @!p0 $0x88, s6;
	s7 =	simm.s32 @p2 $0x1082  }
0x22: {  	[simem:s7], [sflag:s8] =	dma.local @!p0 [hbm:s6], $0xF7A  }
0x23: {  	s9 =	sor.u32 $0xD0000000, s2;
	s6 =	simm.s32 $0x108;
	_ =	swait.ge @!p0 [sflag:s8], $0x0  }
0x24: {  	s3 =	sadd.s32 $0x88, s3;
	s6 =	simm.s32 @!p1 $0x1082;
	[sflag:s4] =	ssyncset.s32 $0xFFFFF086  }
0x25: {  	[simem:s6], [sflag:s4] =	dma.local [hbm:s3], $0xF7A  }
0x26: {  	[smem:$0x3F94] =	sst s1;
	(tag) =	ssettag s2;
	_ =	strace s9  }
0x27: {  	s1 =	sld [smem:$0x3FA4]  }
0x28: {  	s2 =	sld [smem:$0x3FA5]  }
0x29: {  	s4 =	sld [smem:$0x3FA7]  }
0x2a: {  	p0 =	seq.s32 s5, $0x0;
	s5 =	sld [smem:$0x3FA8]  }
0x2b: {  	s6 =	sld [smem:$0x3FA9]  }
0x2c: {  	s7 =	sld [smem:$0x3FAA]  }
0x2d: {  	s3 =	simm.s32 $0x108;
	s8 =	sld [smem:$0x3FAB]  }
0x2e: {  	s3 =	simm.s32 @!p0 $0x1082;
	s9 =	sld [smem:$0x3FAC]  }
0x2f: {  	lr =	sadd.s32 s0, s3;
	s0 =	sld [smem:$0x3FA3]  }
0x30: {  	s3 =	sld [smem:$0x3FA6]  }
0x31: {  	[smem:$0x3FAF] =	sst s10  }
0x32: {  	s10 =	sld [smem:$0x3FAD];
	_ =	sdelay $0x3  }
0x33: {  	p0 =	seq.s32 s10, $0x1;
	s10 =	sld [smem:$0x3FAF];
	_ =	sdelay $0x3  }
0x34: {  	[smem:$0x3FAF] =	sst s10  }
0x35: {  	s10 =	sld [smem:$0x3FAE];
	_ =	sdelay $0x3  }
0x36: {  	p1 =	seq.s32 s10, $0x1;
	s10 =	sld [smem:$0x3FAF];
	_ =	sdelay $0x3  }
0x37: {  	[smem:$0x3FAF] =	sst s10  }
0x38: {  	s10 =	sld [smem:$0x3FB0]  }
0x39: {  	_ = 	snop;
	(pc) =	sbr.ind lr, $3  }
0x3a: {  	_ = 	snop  }
0x3b: {  	_ = 	snop  }
0x3c: {  	p2 =	seq.s32 s10, $0x1;
	s10 =	sld [smem:$0x3FAF]  }
0x3d: {  	_ =	shalt  }
0x3e: {  	_ =	shalt  }
0x3f: {  	_ =	shalt  }
0x40: {  	_ =	shalt  }
0x41: {  	_ =	shalt  }
0x42: {  	_ =	shalt  }
0x43: {  	_ =	shalt  }
0x44: {  	_ =	shalt  }
0x45: {  	_ =	shalt  }
0x46: {  	_ =	shalt  }
0x47: {  	_ =	shalt  }
0x48: {  	_ =	shalt  }
0x49: {  	_ =	shalt  }
0x4a: {  	_ =	shalt  }
0x4b: {  	_ =	shalt  }
0x4c: {  	_ =	shalt  }
0x4d: {  	_ =	shalt  }
0x4e: {  	_ =	shalt  }
0x4f: {  	_ =	shalt  }
0x50: {  	_ =	shalt  }
0x51: {  	_ =	shalt  }
0x52: {  	_ =	shalt  }
0x53: {  	_ =	shalt  }
0x54: {  	_ =	shalt  }
0x55: {  	_ =	shalt  }
0x56: {  	_ =	shalt  }
0x57: {  	_ =	shalt  }
0x58: {  	_ =	shalt  }
0x59: {  	_ =	shalt  }
0x5a: {  	_ =	shalt  }
0x5b: {  	_ =	shalt  }
0x5c: {  	_ =	shalt  }
0x5d: {  	_ =	shalt  }
0x5e: {  	_ =	shalt  }
0x5f: {  	_ =	shalt  }
0x60: {  	_ =	shalt  }
0x61: {  	_ =	shalt  }
0x62: {  	_ =	shalt  }
0x63: {  	_ =	shalt  }
0x64: {  	_ =	shalt  }
0x65: {  	_ =	shalt  }
0x66: {  	_ =	shalt  }
0x67: {  	_ =	shalt  }
0x68: {  	_ =	shalt  }
0x69: {  	_ =	shalt  }
0x6a: {  	_ =	shalt  }
0x6b: {  	_ =	shalt  }
0x6c: {  	_ =	shalt  }
0x6d: {  	_ =	shalt  }
0x6e: {  	_ =	shalt  }
0x6f: {  	_ =	shalt  }
0x70: {  	_ =	shalt  }
0x71: {  	_ =	shalt  }
0x72: {  	_ =	shalt  }
0x73: {  	_ =	shalt  }
0x74: {  	_ =	shalt  }
0x75: {  	_ =	shalt  }
0x76: {  	_ =	shalt  }
0x77: {  	_ =	shalt  }
0x78: {  	_ =	shalt  }
0x79: {  	_ =	shalt  }
0x7a: {  	_ =	shalt  }
0x7b: {  	_ =	shalt  }
0x7c: {  	_ =	shalt  }
0x7d: {  	_ =	shalt  }
0x7e: {  	_ =	shalt  }
0x7f: {  	_ =	shalt  }
0x80: {  	_ =	shalt  }
0x81: {  	_ =	shalt  }
0x82: {  	_ =	shalt  }
0x83: {  	_ =	shalt  }
0x84: {  	_ =	shalt  }
0x85: {  	_ =	shalt  }
0x86: {  	_ =	shalt  }
0x87: {  	_ =	shalt  }
.Lfunc_end0:
.L_simem_size_0:
called_computation.1_lowered:
.L_overlay_start_0:
0x88: {  	s2 =	sld [smem:$0x3FD9]  }
0x89: {  	s3 =	sld [smem:$0x3FFE];
	_ =	sdelay $0x1  }
0x8a: {  	s1 =	srdreg.scid  }
0x8b: {  	s0 =	sand.u32 $0x1, s1  }
0x8c: {  	s16 =	sshll.u32 s0, $0xA;
	s2 =	sadd.s32 s3, s2  }
0x8d: {  	s2 =	sadd.s32 s2, s16  }
0x8e: {  	[smem:$0x3FBB] =	sst s2  }
0x8f: {  	_ = 	snop  }
0x90: {  	(tm) =	ssettm $0x1  }
0x91: {  	s17 =	sld [smem:$0x3FFB];
	_ =	sdelay $0x3  }
0x92: {  	_ =	strace s17  }
0x93: {  	s2 =	sld [smem:$0x3FFC];
	_ =	sdelay $0x3  }
0x94: {  	_ =	strace s2  }
0x95: {  	s2 =	sld [smem:$0x3FFD];
	_ =	sdelay $0x3  }
0x96: {  	_ =	strace s2  }
0x97: {  	_ =	strace $0x8FFFFFFF  }
0x98: {  	s18 =	sld [smem:$0x3FDB];
	_ =	sdelay $0x1  }
0x99: {  	s19 =	simm.s32 $_scs_section_size  }
0x9a: {  	s4 =	simm.s32 $_size__tile_overlayer_lowered;
	s5 =	simm.s32 $_tile_overlayer_lowered  }
0x9b: {  	s22 =	simm.s32 $0x1BFF;
	s21 =	sshll.u32 s5, $0x1;
	s2 =	sadd.s32 s19, s18  }
0x9c: {  	s6 =	simm.s32 $0x0;
	s20 =	sshll.u32 s4, $0x1;
	s4 =	sadd.s32 s21, s2  }
0x9d: {  	[timem:s6], [sflag:s22] =	dma.local [hbm:s4], s20  }
0x9e: {  	_ =	swait.ge [sflag:s22], s20  }
0x9f: {  	s3 =	ssub.s32 $0x0, s20;
	[sflag:s22] =	ssyncset.done $0x0  }
0xa0: {  	[sflag:s22] =	ssyncadd.s32 s3;
	_ =	sdelay $0x1  }
0xa1: {  	s23 =	simm.s32 $0x1B8B  }
0xa2: {  	_ =	swait.ge [sflag:s23], $0x1  }
0xa3: {  	[sflag:s23] =	ssyncset.done $0x0  }
0xa4: {  	s25 =	simm.s32 $0x1B8E;
	s24 =	sld [smem:$0x3FFE];
	[sflag:s23] =	ssyncadd.s32 $0xFFFFFFFF  }
0xa5: {  	s26 =	simm.s32 $execute0_lowered;
	[smem:$0x3FD2] =	sst s25  }
0xa6: {  	s4 =	sshll.u32 s26, $0x1;
	_ =	strace $0x80000046;
	[dreg:$0x1] =	wrdreg $0xFFFFFFFF  }
0xa7: {  	s28 =	simm.s32 $_size_execute0_lowered;
	s2 =	sadd.s32 s2, s4;
	[dreg:$0x0] =	wrdreg $0x0  }
0xa8: {  	s4 =	sshll.u32 s28, $0x1;
	[dreg:$0x2] =	wrdreg s2  }
0xa9: {  	[dreg:$0x3] =	wrdreg s4  }
0xaa: {  	[dreg:$0x4] =	wrdreg $0xC0  }
0xab: {  	_ =	task [dreg:s6], $0x5FFFF  }
0xac: {  	[dreg:$0x1] =	wrdreg $0xFFFFFFFF  }
0xad: {  	[dreg:$0x0] =	wrdreg $0x60  }
0xae: {  	[dreg:$0x2] =	wrdreg s24  }
0xaf: {  	[dreg:$0x3] =	wrdreg $0x90000  }
0xb0: {  	[dreg:$0x4] =	wrdreg $0xA  }
0xb1: {  	_ =	task.clear_ibuf [dreg:s6], $0x5FFFF;
	_ =	strace $0x90000046  }
0xb2: {  	s29 =	simm.s32 $0xA;
	_ =	strace $0x80000048  }
0xb3: {  	_ =	swait.ge [sflag:s29], $0x1  }
0xb4: {  	[sflag:s29] =	ssyncadd.s32 $0xFFFFFFFF  }
0xb5: {  	_ =	strace $0x90000048  }
0xb6: {  	_ =	sfence  }
0xb7: {  	s30 =	sld [smem:$0x0];
	_ =	sdelay $0x2  }
0xb8: {  	s31 =	sshll.u32 s1, $0xD;
	s1 =	sshrl.u32 s1, $0x2  }
0xb9: {  	s3 =	sand.u32 $0x4000, s31;
	s1 =	sadd.s32 s1, s30  }
0xba: {  	s0 =	sor.u32 s3, s0;
	s1 =	sshll.u32 s1, $0x11  }
0xbb: {  	s0 =	sor.u32 s1, s0  }
0xbc: {  	s0 =	sadd.s32 $0x8F2B, s0  }
0xbd: {  	[sflag:s0] =	ssyncadd.remote.s32 $0x1  }
0xbe: {  	_ =	sfence.sel $0xFFFF  }
0xbf: {  	[dreg:$0x0] =	wrdreg $0xFFFFFFFF;
	(pc) =	sbr.abs _section_cstart, $3  }
0xc0: {  	[dreg:$0x1] =	wrdreg $0xFFFFFFFF  }
0xc1: {  	_ =	task.clear_ibuf [dreg:s6], $0x2FFFF;
	_ =	strace $0x9FFFFFFF  }
0xc2: {  	(tm) =	ssettm $0x7FFFFFFF  }
0xc3: {  	_ =	shalt  }
tec
execute0_lowered:
.L_overlay_start_1:
0x0: {  	(tag) =	ssettag $0x1  }
0x1: {  	s1 =	srdreg.scid;
	s4 =	rddreg [dreg:$0x0]  }
0x2: {  	s0 =	stileid.u32;
	s2 =	rddreg [dreg:$0x1];
	s3 =	simm.s32 $0x0  }
0x3: {  	s16 =	simm.s32 $0x7000;
	s17 =	simm.s32 $0x1;
	s18 =	simm.s32 $0x40  }
0x4: {  	s19 =	simm.s32 $0x2;
	s20 =	simm.s32 $0x3;
	s21 =	simm.s32 $0x4  }
0x5: {  	s22 =	simm.s32 $0x4F80;
	s23 =	simm.s32 $0x4FC0;
	s24 =	simm.s32 $0x0  }
0x6: {  	s5 =	sand.u32 $0x1, s1;
	s1 =	rddreg [dreg:$0x2];
	s8 =	smul.u32 $0x13880, s0  }
0x7: {  	s25 =	sshll.u32 s0, $0x1;
	[smem:$0x7FF] =	sst s3;
	s14 =	smul.u32 $0x280, s0  }
0x8: {  	s10 =	sadd.s32 $0x4F8000, s4;
	s28 =	sshll.u32 s0, $0x6;
	s9 =	smul.u32 $0x138800, s5  }
0x9: {  	s6 =	sor.u32 s5, s25;
	_ =	strace $0x80000047;
	s26 =	smul.u32 $0x140, s5  }
0xa: {  	s12 =	ssub.s32 $0x2, s5;
	s5 =	sor.u32 $0x1C05, s28;
	s7 =	smul.u32 $0xA00, s6  }
0xb: {  	s11 =	sshrl.u32 s8, $0x3;
	s13 =	sshrl.u32 s12, $0x1;
	s15 =	sadd.s32 s8, s2  }
0xc: {  	s29 =	smul.u32 $0x50000, s6;
	s11 =	sadd.s32 s11, s4;
	s9 =	sadd.s32 s8, s9  }
0xd: {  	s12 =	ssub.s32 s12, s13;
	s30 =	sadd.s32 s26, s14;
	s13 =	sshrl.u32 s15, $0x3  }
0xe: {  	s14 =	simm.s32 $0x5;
	s15 =	simm.s32 $0x5000;
	s9 =	sshrl.u32 s9, $0x3  }
0xf: {  	s7 =	sadd.s32 s7, s4;
	s9 =	sadd.s32 s9, s4;
	s4 =	sadd.s32 $0xEF8000, s11  }
0x10: {  	s6 =	sadd.s32 $0x2000, s7;
	s7 =	sadd.s32 s10, s29;
	s11 =	sshll.u32 s30, $0xA  }
0x11: {  	s8 =	sadd.s32 $0x400, s7;
	s9 =	sadd.s32 $0xF1F200, s9;
	s31 =	sadd.s32 s11, s10  }
0x12: {  	s10 =	smax.u32 s12, $0x1;
	s11 =	sadd.s32 $0xC00, s31;
	s12 =	sadd.s32 $0x800, s31  }
.LBB2_1:
0x13: {  	[spmem:s13], [sflag:s5] =	dma.local [hbm:s4], $0x2710  }
0x14: {  	_ =	swait.ge [sflag:s14], $0x2710  }
0x15: {  	[sflag:s14] =	ssyncset.done $0x0  }
0x16: {  	[sflag:s14] =	ssyncadd.s32 $0xFFFFD8F0  }
0x17: {  	[bflag:$0x0] =	sbarrier.arrive $0xFFFF  }
0x18: {  	[tilespmem:s3], [sflag:$0x5] =	stream.linear.gather [hbm4b:s6+s3], $0x5000, $0x38;
	[tilespmem:$0x1C880] =	vst v63  }
0x19: {  	_ =	swait.ge [sflag:s14], $0x5000  }
0x1a: {  	[sflag:s14] =	ssyncset.done $0x0  }
0x1b: {  	[sflag:s14] =	ssyncadd.s32 $0xFFFFB000  }
0x1c: {  	[tilespmem:s15], [sflag:$0x1] =	stream.linear.gather [hbm4b:s7+s3], $0x2000, $0x38;
	[tilespmem:$0x1C880] =	vst v63  }
0x1d: {  	_ = 	snop  }
0x1e: {  	[tilespmem:s16], [sflag:$0x2] =	stream.linear.gather [hbm4b:s8+s3], $0x2000, $0x38;
	[tilespmem:$0x1C880] =	vst v63  }
0x1f: {  	_ =	swait.ge [sflag:s17], $0x2000  }
0x20: {  	[sflag:s17] =	ssyncset.done $0x0  }
0x21: {  	s25 =	simm.s32 $0x0;
	[sflag:s17] =	ssyncadd.s32 $0xFFFFE000  }
0x22: {  	[spmem:s2] =	stream.indirect.scatter.add.f32 [tilespmem:s15], [sflag:$0x3], $0x80, s25, s18, $0xb8;
	[tilespmem:$0x1C880] =	vst v63  }
0x23: {  	_ =	swait.ge [sflag:s19], $0x2000  }
0x24: {  	[sflag:s19] =	ssyncset.done $0x0  }
0x25: {  	[sflag:s19] =	ssyncadd.s32 $0xFFFFE000  }
0x26: {  	[spmem:s2] =	stream.indirect.scatter.add.f32 [tilespmem:s16], [sflag:$0x4], $0x80, s18, s18, $0xb8;
	[tilespmem:$0x1C880] =	vst v63  }
0x27: {  	_ =	swait.ge [sflag:s20], $0x2000  }
0x28: {  	[sflag:s20] =	ssyncset.done $0x0  }
0x29: {  	s31 =	sadd.s32 $0x0, s12;
	[sflag:s20] =	ssyncadd.s32 $0xFFFFE000  }
0x2a: {  	[tilespmem:s15], [sflag:$0x1] =	stream.linear.gather [hbm4b:s31+s3], $0x2000, $0x38;
	[tilespmem:$0x1C880] =	vst v63  }
0x2b: {  	_ =	swait.ge [sflag:s21], $0x2000  }
0x2c: {  	s28 =	sadd.s32 $0x0, s11;
	[sflag:s21] =	ssyncset.done $0x0  }
0x2d: {  	s26 =	simm.s32 $0xC0;
	s25 =	simm.s32 $0x800;
	[sflag:s21] =	ssyncadd.s32 $0xFFFFE000  }
.LBB2_2:
0x2e: {  	[tilespmem:s16], [sflag:$0x2] =	stream.linear.gather [hbm4b:s28+s3], $0x2000, $0x38;
	[tilespmem:$0x1C880] =	vst v63  }
0x2f: {  	s28 =	smov.u32 s25  }
0x30: {  	p0 =	sne.s32 s25, $0x4F000;
	s25 =	sadd.s32 $0x800, s25;
	_ =	swait.ge [sflag:s17], $0x2000  }
0x31: {  	[sflag:s17] =	ssyncset.done $0x0  }
0x32: {  	s29 =	sadd.s32 $0xFFFFFFC0, s26;
	[sflag:s17] =	ssyncadd.s32 $0xFFFFE000  }
0x33: {  	[spmem:s2] =	stream.indirect.scatter.add.f32 [tilespmem:s15], [sflag:$0x3], $0x80, s29, s18, $0xb8;
	[tilespmem:$0x1C880] =	vst v63  }
0x34: {  	_ =	swait.ge [sflag:s19], $0x2000  }
0x35: {  	[sflag:s19] =	ssyncset.done $0x0  }
0x36: {  	[sflag:s19] =	ssyncadd.s32 $0xFFFFE000  }
0x37: {  	[spmem:s2] =	stream.indirect.scatter.add.f32 [tilespmem:s16], [sflag:$0x4], $0x80, s26, s18, $0xb8;
	[tilespmem:$0x1C880] =	vst v63  }
0x38: {  	_ =	swait.ge [sflag:s20], $0x2000  }
0x39: {  	[sflag:s20] =	ssyncset.done $0x0  }
.Ltmp0:
0x3a: {  	s29 =	sadd.s32 s28, s12;
	[sflag:s20] =	ssyncadd.s32 $0xFFFFE000;
	(pc) =	sbr.rel @p0 .LBB2_2-.Ltmp0, $4  }
0x3b: {  	[tilespmem:s15], [sflag:$0x1] =	stream.linear.gather [hbm4b:s29+s3], $0x2000, $0x38;
	[tilespmem:$0x1C880] =	vst v63  }
0x3c: {  	_ =	swait.ge [sflag:s21], $0x2000  }
0x3d: {  	[sflag:s21] =	ssyncset.done $0x0  }
0x3e: {  	s28 =	sadd.s32 s28, s11;
	s26 =	sadd.s32 $0x80, s26;
	[sflag:s21] =	ssyncadd.s32 $0xFFFFE000  }
0x3f: {  	[tilespmem:s16], [sflag:$0x2] =	stream.linear.gather [hbm4b:s28+s3], $0x2000, $0x38;
	[tilespmem:$0x1C880] =	vst v63  }
0x40: {  	_ =	swait.ge [sflag:s17], $0x2000  }
0x41: {  	[sflag:s17] =	ssyncset.done $0x0  }
0x42: {  	[sflag:s17] =	ssyncadd.s32 $0xFFFFE000  }
0x43: {  	[spmem:s2] =	stream.indirect.scatter.add.f32 [tilespmem:s15], [sflag:$0x3], $0x80, s22, s18, $0xb8;
	[tilespmem:$0x1C880] =	vst v63  }
0x44: {  	_ =	swait.ge [sflag:s19], $0x2000  }
0x45: {  	[sflag:s19] =	ssyncset.done $0x0  }
0x46: {  	[sflag:s19] =	ssyncadd.s32 $0xFFFFE000  }
0x47: {  	[spmem:s2] =	stream.indirect.scatter.add.f32 [tilespmem:s16], [sflag:$0x4], $0x80, s23, s18, $0xb8;
	[tilespmem:$0x1C880] =	vst v63  }
0x48: {  	_ =	swait.ge [sflag:s20], $0x2000  }
0x49: {  	[sflag:s20] =	ssyncset.done $0x0  }
0x4a: {  	[sflag:s20] =	ssyncadd.s32 $0xFFFFE000  }
0x4b: {  	_ =	swait.ge [sflag:s21], $0x2000  }
0x4c: {  	s24 =	sadd.s32 $0x1, s24;
	[sflag:s21] =	ssyncset.done $0x0  }
0x4d: {  	p0 =	sne.s32 s24, s10;
	[sflag:s21] =	ssyncadd.s32 $0xFFFFE000  }
.Ltmp1:
0x4e: {  	[bflag:$0x0] =	sbarrier.arrive $0xFFFF;
	(pc) =	sbr.rel @p0 .LBB2_1-.Ltmp1, $4  }
0x4f: {  	[hbm:s9], [sflag:s5] =	dma.local [spmem:s13], $0x2710  }
0x50: {  	_ =	swait.ge [sflag:s14], $0x2710  }
0x51: {  	[sflag:s14] =	ssyncset.done $0x0  }
0x52: {  	[sflag:s14] =	ssyncadd.s32 $0xFFFFD8F0  }
0x53: {  	_ =	sfence.sel $0x180000  }
0x54: {  	[bflag:$0x0] =	sbarrier.arrive $0xFFFF  }
0x55: {  	p0 =	sne.s32 s0, $0x0;
	_ =	strace $0x90000047  }
0x56: {  	s0 =	sadd.s32 @!p0 $0x100000, s1;
	[bflag:$0x2] =	sbarrier.arrive $0xFFFF  }
0x57: {  	[sflag:s0] =	ssyncadd.tile.s32 @!p0 $0x1;
	_ =	shalt  }
.Lfunc_end2:
_tile_overlayer_lowered:
.L_overlay_start_2:
0x58: {  	(tag) =	ssettag $0x2  }
0x59: {  	s0 =	rddreg [dreg:$0x0];
	s2 =	stileid.u32  }
0x5a: {  	s1 =	rddreg [dreg:$0x1];
	p0 =	sne.s32 s2, $0x0  }
0x5b: {  	s3 =	rddreg [dreg:$0x2];
	[bflag:$0x3] =	sbarrier.arrive $0xFFFF;
	s2 =	simm.s32 @!p0 $0x1C05  }
0x5c: {  	[timem:s3], [sflag:s2] =	dma.local @!p0 [hbm:s0], s1  }
0x5d: {  	s0 =	simm.s32 @!p0 $0x5  }
0x5e: {  	_ =	swait.ge @!p0 [sflag:s0], s1  }
0x5f: {  	s1 =	ssub.s32 @!p0 $0x0, s1;
	[sflag:s0] =	ssyncset.done @!p0 $0x0  }
0x60: {  	[sflag:s0] =	ssyncadd.s32 @!p0 s1  }
0x61: {  	[bflag:$0x3] =	sbarrier.arrive $0xFFFF  }
0x62: {  	_ =	shalt  }

// kernel: kernel.16.cloned.1.call-start
scs
__scs_entry_jumppad:
0x0: {  	(pc) =	sbr.rel $0x88, $3  }
0x1: {  	(tag) =	ssettag $0x0;
	lr =	simm.s32 $0x1  }
0x2: {  	[smem:$0x3F94] =	sst lr;
	_ =	strace $0xD0000000  }
0x3: {  	_ = 	snop  }
0x4: {  	_ = 	snop  }
0x5: {  	_ = 	snop  }
0x6: {  	_ = 	snop  }
0x7: {  	_ = 	snop  }
__scs_overlays_trampoline_lowered:
0x8: {  	[smem:$0x3FA3] =	sst s0  }
0x9: {  	[smem:$0x3FA4] =	sst s1  }
0xa: {  	[smem:$0x3FA5] =	sst s2  }
0xb: {  	[smem:$0x3FA6] =	sst s3  }
0xc: {  	[smem:$0x3FA7] =	sst s4  }
0xd: {  	[smem:$0x3FA8] =	sst s5  }
0xe: {  	[smem:$0x3FA9] =	sst s6  }
0xf: {  	[smem:$0x3FAA] =	sst s7  }
0x10: {  	[smem:$0x3FAB] =	sst s8  }
0x11: {  	[smem:$0x3FAC] =	sst s9;
	s0 =	simm.s32 @!p0 $0x0  }
0x12: {  	s1 =	sld [smem:$0x3F92];
	s0 =	simm.s32 @p0 $0x1  }
0x13: {  	[smem:$0x3FAD] =	sst s0;
	s0 =	simm.s32 @!p1 $0x0  }
0x14: {  	s2 =	sld [smem:$0x3F91];
	s0 =	simm.s32 @p1 $0x1  }
0x15: {  	[smem:$0x3FAE] =	sst s0;
	s0 =	simm.s32 @!p2 $0x0  }
0x16: {  	s3 =	sld [smem:$0x3FDB];
	s0 =	simm.s32 @p2 $0x1  }
0x17: {  	s4 =	simm.s32 $0x1BF5;
	[smem:$0x3FB0] =	sst s0  }
0x18: {  	s0 =	sld [smem:$0x3F93];
	_ =	swait.ge [sflag:s4], $0x0  }
0x19: {  	s7 =	sld [smem:$0x3F94]  }
0x1a: {  	s8 =	sadd.s32 $0xFFFFE003, lr  }
0x1b: {  	s9 =	sadd.s32 $0xFFFFFEF7, lr;
	s5 =	simm.s32 $0xFFFFFFFF;
	p2 =	slt.u32 s8, $0xFFFFF086  }
0x1c: {  	p1 =	slt.u32 s9, $0xF7A;
	s5 =	simm.s32 @!p2 $0x0  }
0x1d: {  	s5 =	simm.s32 @p1 $0x1;
	p0 =	seq.s32 s7, s2  }
0x1e: {  	s7 =	smul.u32 @!p0 $0xF7A, s2;
	p2 =	seq.s32 @!p0 s5, $0x0  }
0x1f: {  	s9 =	smul.u32 $0xF7A, s1;
	s8 =	simm.s32 @!p0 $0x1BF5;
	p2 =	por !p2, p0  }
0x20: {  	[sflag:s8] =	ssyncset.s32 @!p0 $0xFFFFF086;
	s6 =	sadd.s32 @!p0 s3, s7;
	s7 =	simm.s32 @!p0 $0x108  }
0x21: {  	s3 =	sadd.s32 s3, s9;
	s6 =	sadd.s32 @!p0 $0x88, s6;
	s7 =	simm.s32 @p2 $0x1082  }
0x22: {  	[simem:s7], [sflag:s8] =	dma.local @!p0 [hbm:s6], $0xF7A  }
0x23: {  	s9 =	sor.u32 $0xD0000000, s2;
	s6 =	simm.s32 $0x108;
	_ =	swait.ge @!p0 [sflag:s8], $0x0  }
0x24: {  	s3 =	sadd.s32 $0x88, s3;
	s6 =	simm.s32 @!p1 $0x1082;
	[sflag:s4] =	ssyncset.s32 $0xFFFFF086  }
0x25: {  	[simem:s6], [sflag:s4] =	dma.local [hbm:s3], $0xF7A  }
0x26: {  	[smem:$0x3F94] =	sst s1;
	(tag) =	ssettag s2;
	_ =	strace s9  }
0x27: {  	s1 =	sld [smem:$0x3FA4]  }
0x28: {  	s2 =	sld [smem:$0x3FA5]  }
0x29: {  	s4 =	sld [smem:$0x3FA7]  }
0x2a: {  	p0 =	seq.s32 s5, $0x0;
	s5 =	sld [smem:$0x3FA8]  }
0x2b: {  	s6 =	sld [smem:$0x3FA9]  }
0x2c: {  	s7 =	sld [smem:$0x3FAA]  }
0x2d: {  	s3 =	simm.s32 $0x108;
	s8 =	sld [smem:$0x3FAB]  }
0x2e: {  	s3 =	simm.s32 @!p0 $0x1082;
	s9 =	sld [smem:$0x3FAC]  }
0x2f: {  	lr =	sadd.s32 s0, s3;
	s0 =	sld [smem:$0x3FA3]  }
0x30: {  	s3 =	sld [smem:$0x3FA6]  }
0x31: {  	[smem:$0x3FAF] =	sst s10  }
0x32: {  	s10 =	sld [smem:$0x3FAD];
	_ =	sdelay $0x3  }
0x33: {  	p0 =	seq.s32 s10, $0x1;
	s10 =	sld [smem:$0x3FAF];
	_ =	sdelay $0x3  }
0x34: {  	[smem:$0x3FAF] =	sst s10  }
0x35: {  	s10 =	sld [smem:$0x3FAE];
	_ =	sdelay $0x3  }
0x36: {  	p1 =	seq.s32 s10, $0x1;
	s10 =	sld [smem:$0x3FAF];
	_ =	sdelay $0x3  }
0x37: {  	[smem:$0x3FAF] =	sst s10  }
0x38: {  	s10 =	sld [smem:$0x3FB0]  }
0x39: {  	_ = 	snop;
	(pc) =	sbr.ind lr, $3  }
0x3a: {  	_ = 	snop  }
0x3b: {  	_ = 	snop  }
0x3c: {  	p2 =	seq.s32 s10, $0x1;
	s10 =	sld [smem:$0x3FAF]  }
0x3d: {  	_ =	shalt  }
0x3e: {  	_ =	shalt  }
0x3f: {  	_ =	shalt  }
0x40: {  	_ =	shalt  }
0x41: {  	_ =	shalt  }
0x42: {  	_ =	shalt  }
0x43: {  	_ =	shalt  }
0x44: {  	_ =	shalt  }
0x45: {  	_ =	shalt  }
0x46: {  	_ =	shalt  }
0x47: {  	_ =	shalt  }
0x48: {  	_ =	shalt  }
0x49: {  	_ =	shalt  }
0x4a: {  	_ =	shalt  }
0x4b: {  	_ =	shalt  }
0x4c: {  	_ =	shalt  }
0x4d: {  	_ =	shalt  }
0x4e: {  	_ =	shalt  }
0x4f: {  	_ =	shalt  }
0x50: {  	_ =	shalt  }
0x51: {  	_ =	shalt  }
0x52: {  	_ =	shalt  }
0x53: {  	_ =	shalt  }
0x54: {  	_ =	shalt  }
0x55: {  	_ =	shalt  }
0x56: {  	_ =	shalt  }
0x57: {  	_ =	shalt  }
0x58: {  	_ =	shalt  }
0x59: {  	_ =	shalt  }
0x5a: {  	_ =	shalt  }
0x5b: {  	_ =	shalt  }
0x5c: {  	_ =	shalt  }
0x5d: {  	_ =	shalt  }
0x5e: {  	_ =	shalt  }
0x5f: {  	_ =	shalt  }
0x60: {  	_ =	shalt  }
0x61: {  	_ =	shalt  }
0x62: {  	_ =	shalt  }
0x63: {  	_ =	shalt  }
0x64: {  	_ =	shalt  }
0x65: {  	_ =	shalt  }
0x66: {  	_ =	shalt  }
0x67: {  	_ =	shalt  }
0x68: {  	_ =	shalt  }
0x69: {  	_ =	shalt  }
0x6a: {  	_ =	shalt  }
0x6b: {  	_ =	shalt  }
0x6c: {  	_ =	shalt  }
0x6d: {  	_ =	shalt  }
0x6e: {  	_ =	shalt  }
0x6f: {  	_ =	shalt  }
0x70: {  	_ =	shalt  }
0x71: {  	_ =	shalt  }
0x72: {  	_ =	shalt  }
0x73: {  	_ =	shalt  }
0x74: {  	_ =	shalt  }
0x75: {  	_ =	shalt  }
0x76: {  	_ =	shalt  }
0x77: {  	_ =	shalt  }
0x78: {  	_ =	shalt  }
0x79: {  	_ =	shalt  }
0x7a: {  	_ =	shalt  }
0x7b: {  	_ =	shalt  }
0x7c: {  	_ =	shalt  }
0x7d: {  	_ =	shalt  }
0x7e: {  	_ =	shalt  }
0x7f: {  	_ =	shalt  }
0x80: {  	_ =	shalt  }
0x81: {  	_ =	shalt  }
0x82: {  	_ =	shalt  }
0x83: {  	_ =	shalt  }
0x84: {  	_ =	shalt  }
0x85: {  	_ =	shalt  }
0x86: {  	_ =	shalt  }
0x87: {  	_ =	shalt  }
.Lfunc_end0:
.L_simem_size_0:
called_computation.2_lowered:
.L_overlay_start_0:
0x88: {  	s2 =	sld [smem:$0x3FD9]  }
0x89: {  	s3 =	sld [smem:$0x3FFE];
	_ =	sdelay $0x1  }
0x8a: {  	s1 =	srdreg.scid  }
0x8b: {  	s0 =	sand.u32 $0x1, s1  }
0x8c: {  	s17 =	sshll.u32 s0, $0xA;
	s2 =	sadd.s32 s3, s2  }
0x8d: {  	s2 =	sadd.s32 s2, s17  }
0x8e: {  	[smem:$0x3FBB] =	sst s2  }
0x8f: {  	_ = 	snop  }
0x90: {  	(tm) =	ssettm $0x1  }
0x91: {  	s18 =	sld [smem:$0x3FFB];
	_ =	sdelay $0x3  }
0x92: {  	_ =	strace s18  }
0x93: {  	s2 =	sld [smem:$0x3FFC];
	_ =	sdelay $0x3  }
0x94: {  	_ =	strace s2  }
0x95: {  	s2 =	sld [smem:$0x3FFD];
	_ =	sdelay $0x3  }
0x96: {  	_ =	strace s2  }
0x97: {  	_ =	strace $0x8FFFFFFF  }
0x98: {  	s19 =	sld [smem:$0x3FDB];
	_ =	sdelay $0x1  }
0x99: {  	s20 =	simm.s32 $_scs_section_size  }
0x9a: {  	s4 =	simm.s32 $_size__tile_overlayer_lowered;
	s5 =	simm.s32 $_tile_overlayer_lowered  }
0x9b: {  	s6 =	simm.s32 $0x1BFF;
	s21 =	sshll.u32 s5, $0x1;
	s3 =	sadd.s32 s20, s19  }
0x9c: {  	s22 =	simm.s32 $0x0;
	s4 =	sshll.u32 s4, $0x1;
	s5 =	sadd.s32 s21, s3  }
0x9d: {  	[timem:s22], [sflag:s6] =	dma.local [hbm:s5], s4  }
0x9e: {  	_ =	swait.ge [sflag:s6], s4  }
0x9f: {  	s4 =	ssub.s32 $0x0, s4;
	[sflag:s6] =	ssyncset.done $0x0  }
0xa0: {  	[sflag:s6] =	ssyncadd.s32 s4;
	_ =	sdelay $0x1  }
0xa1: {  	s23 =	simm.s32 $0x1B8B  }
0xa2: {  	_ =	swait.ge [sflag:s23], $0x1  }
0xa3: {  	[sflag:s23] =	ssyncset.done $0x0  }
0xa4: {  	[sflag:s23] =	ssyncadd.s32 $0xFFFFFFFF  }
0xa5: {  	s4 =	sld [smem:$0x0]  }
0xa6: {  	s5 =	sand.u32 $0xFFFFFFFE, s1  }
0xa7: {  	p0 =	sne.s32 s1, s5  }
0xa8: {  	s5 =	sshll.u32 @p0 s5, $0xE  }
0xa9: {  	s5 =	sadd.s32 @p0 $0x11B8D, s5;
	s6 =	sshll.u32 @p0 s4, $0x11  }
0xaa: {  	s5 =	sor.u32 @p0 s6, s5  }
0xab: {  	[sflag:s5] =	ssyncadd.remote.s32 @p0 $0x1;
	_ =	sdelay $0x1  }
0xac: {  	s5 =	simm.s32 @p0 $0x1B8D  }
0xad: {  	_ =	swait.eq @p0 [sflag:s5], $0x1  }
0xae: {  	[sflag:s5] =	ssyncadd.s32 @p0 $0xFFFFFFFF  }
0xaf: {  	s6 =	sshll.u32 @!p0 s1, $0xE  }
0xb0: {  	s6 =	sor.u32 @!p0 $0x4000, s6;
	s5 =	simm.s32 @!p0 $0x1B8D  }
0xb1: {  	s4 =	sshll.u32 @!p0 s4, $0x11;
	s6 =	sadd.s32 @!p0 $0x11B8D, s6;
	_ =	swait.eq @!p0 [sflag:s5], $0x1  }
0xb2: {  	s4 =	sor.u32 @!p0 s4, s6;
	[sflag:s5] =	ssyncadd.s32 @!p0 $0xFFFFFFFF  }
0xb3: {  	s25 =	simm.s32 $0x1B8E;
	s24 =	sld [smem:$0x3FFE];
	[sflag:s4] =	ssyncadd.remote.s32 @!p0 $0x1  }
0xb4: {  	s26 =	simm.s32 $execute0_lowered;
	[smem:$0x3FD2] =	sst s25  }
0xb5: {  	s5 =	sshll.u32 s26, $0x1;
	_ =	strace $0x8000004C;
	[dreg:$0x1] =	wrdreg $0xFFFFFFFF  }
0xb6: {  	s28 =	simm.s32 $_size_execute0_lowered;
	s3 =	sadd.s32 s3, s5;
	[dreg:$0x0] =	wrdreg $0x0  }
0xb7: {  	s5 =	sshll.u32 s28, $0x1;
	[dreg:$0x2] =	wrdreg s3  }
0xb8: {  	[dreg:$0x3] =	wrdreg s5  }
0xb9: {  	[dreg:$0x4] =	wrdreg $0xC0  }
0xba: {  	_ =	task [dreg:s22], $0x5FFFF  }
0xbb: {  	[dreg:$0x1] =	wrdreg $0xFFFFFFFF  }
0xbc: {  	[dreg:$0x0] =	wrdreg $0x60  }
0xbd: {  	[dreg:$0x2] =	wrdreg s24  }
0xbe: {  	[dreg:$0x3] =	wrdreg $0x15400  }
0xbf: {  	[dreg:$0x4] =	wrdreg $0xA  }
0xc0: {  	_ =	task.clear_ibuf [dreg:s22], $0x5FFFF;
	_ =	strace $0x9000004C  }
0xc1: {  	s29 =	simm.s32 $0xA;
	_ =	strace $0x8000004E  }
0xc2: {  	_ =	swait.ge [sflag:s29], $0x1  }
0xc3: {  	[sflag:s29] =	ssyncadd.s32 $0xFFFFFFFF  }
0xc4: {  	_ =	strace $0x9000004E  }
0xc5: {  	_ =	sfence  }
0xc6: {  	s30 =	sld [smem:$0x0];
	_ =	sdelay $0x2  }
0xc7: {  	s31 =	sshll.u32 s1, $0xD;
	s1 =	sshrl.u32 s1, $0x2  }
0xc8: {  	s4 =	sand.u32 $0x4000, s31;
	s1 =	sadd.s32 s1, s30  }
0xc9: {  	s0 =	sor.u32 s4, s0;
	s1 =	sshll.u32 s1, $0x11  }
0xca: {  	s0 =	sor.u32 s1, s0  }
0xcb: {  	s0 =	sadd.s32 $0x8F2B, s0  }
0xcc: {  	[sflag:s0] =	ssyncadd.remote.s32 $0x1  }
0xcd: {  	_ =	sfence.sel $0xFFFF  }
0xce: {  	[dreg:$0x0] =	wrdreg $0xFFFFFFFF;
	(pc) =	sbr.abs _section_cstart, $3  }
0xcf: {  	[dreg:$0x1] =	wrdreg $0xFFFFFFFF  }
0xd0: {  	_ =	task.clear_ibuf [dreg:s22], $0x2FFFF;
	_ =	strace $0x9FFFFFFF  }
0xd1: {  	(tm) =	ssettm $0x7FFFFFFF  }
tec
execute0_lowered:
.L_overlay_start_1:
0x0: {  	(tag) =	ssettag $0x1  }
0x1: {  	s25 =	rddreg [dreg:$0x0]  }
0x2: {  	s2 =	rddreg [dreg:$0x1]  }
0x3: {  	s0 =	rddreg [dreg:$0x2]  }
0x4: {  	s1 =	stileid.u32;
	s3 =	simm.s32 $0x0;
	s4 =	srdreg.scid  }
0x5: {  	s26 =	smul.u32 $0x13880, s1;
	[smem:$0x7FF] =	sst s3;
	s28 =	sand.u32 $0x1, s4  }
0x6: {  	s22 =	sshll.u32 s1, $0x4;
	s29 =	sshll.u32 s1, $0x6;
	s5 =	sshll.u32 s28, $0x3  }
0x7: {  	_ =	strace $0x8000004D;
	s6 =	sshrl.u32 s26, $0x3;
	s8 =	sor.u32 s5, s22  }
0x8: {  	s24 =	sadd.s32 s26, s2;
	s5 =	sor.u32 $0x1C01, s29;
	s23 =	sadd.s32 s6, s25  }
0x9: {  	s7 =	sshrl.u32 s24, $0x3;
	s6 =	simm.s32 $0x1;
	s4 =	sadd.s32 $0xEF8000, s23  }
0xa: {  	[spmem:s7], [sflag:s5] =	dma.local [hbm:s4], $0x2710  }
0xb: {  	s9 =	smul.u32 $0x5, s8;
	_ =	swait.ge [sflag:s6], $0x2710  }
0xc: {  	[sflag:s6] =	ssyncset.done $0x0  }
0xd: {  	s9 =	sadd.s32 s9, s25;
	[sflag:s6] =	ssyncadd.s32 $0xFFFFD8F0  }
0xe: {  	s10 =	smul.u32 $0x280, s8;
	s8 =	sadd.s32 $0xFCF200, s9;
	[bflag:$0x0] =	sbarrier.arrive $0xFFFF  }
0xf: {  	[tilespmem:s3], [sflag:$0x1] =	stream.linear.gather [hbm4b:s8+s3], $0x140, $0x38;
	[tilespmem:$0x14DC0] =	vst v63  }
0x10: {  	_ =	swait.ge [sflag:s6], $0x140  }
0x11: {  	s23 =	sadd.s32 s10, s25;
	[sflag:s6] =	ssyncset.done $0x0  }
0x12: {  	s10 =	simm.s32 $0x140;
	s9 =	sadd.s32 $0xF1F200, s23;
	[sflag:s6] =	ssyncadd.s32 $0xFFFFFEC0  }
0x13: {  	[tilespmem:s10], [sflag:$0x1] =	stream.linear.gather [hbm4b:s9+s3], $0x1400, $0x38;
	[tilespmem:$0x14DC0] =	vst v63  }
0x14: {  	_ =	swait.ge [sflag:s6], $0x1400  }
0x15: {  	[sflag:s6] =	ssyncset.done $0x0  }
0x16: {  	s11 =	simm.s32 $0x28;
	[sflag:s6] =	ssyncadd.s32 $0xFFFFEC00  }
0x17: {  	[spmem:s2] =	stream.indirect.scatter.add.f32 [tilespmem:s10], [sflag:$0x1], $0x80, s3, s11, $0xb8;
	[tilespmem:$0x14DC0] =	vst v63  }
0x18: {  	_ =	swait.ge [sflag:s6], $0x1400  }
0x19: {  	[sflag:s6] =	ssyncset.done $0x0  }
0x1a: {  	s12 =	sadd.s32 $0xF1F480, s23;
	[sflag:s6] =	ssyncadd.s32 $0xFFFFEC00  }
0x1b: {  	[tilespmem:s10], [sflag:$0x1] =	stream.linear.gather [hbm4b:s12+s3], $0x1400, $0x38;
	[tilespmem:$0x14DC0] =	vst v63  }
0x1c: {  	_ =	swait.ge [sflag:s6], $0x1400  }
0x1d: {  	[sflag:s6] =	ssyncset.done $0x0  }
0x1e: {  	[sflag:s6] =	ssyncadd.s32 $0xFFFFEC00  }
0x1f: {  	[spmem:s2] =	stream.indirect.scatter.add.f32 [tilespmem:s10], [sflag:$0x1], $0x80, s11, s11, $0xb8;
	[tilespmem:$0x14DC0] =	vst v63  }
0x20: {  	_ =	swait.ge [sflag:s6], $0x1400  }
0x21: {  	[sflag:s6] =	ssyncset.done $0x0  }
0x22: {  	s13 =	sadd.s32 $0xF1F700, s23;
	[sflag:s6] =	ssyncadd.s32 $0xFFFFEC00  }
0x23: {  	[tilespmem:s10], [sflag:$0x1] =	stream.linear.gather [hbm4b:s13+s3], $0x1400, $0x38;
	[tilespmem:$0x14DC0] =	vst v63  }
0x24: {  	_ =	swait.ge [sflag:s6], $0x1400  }
0x25: {  	[sflag:s6] =	ssyncset.done $0x0  }
0x26: {  	s14 =	simm.s32 $0x50;
	[sflag:s6] =	ssyncadd.s32 $0xFFFFEC00  }
0x27: {  	[spmem:s2] =	stream.indirect.scatter.add.f32 [tilespmem:s10], [sflag:$0x1], $0x80, s14, s11, $0xb8;
	[tilespmem:$0x14DC0] =	vst v63  }
0x28: {  	_ =	swait.ge [sflag:s6], $0x1400  }
0x29: {  	[sflag:s6] =	ssyncset.done $0x0  }
0x2a: {  	s15 =	sadd.s32 $0xF1F980, s23;
	[sflag:s6] =	ssyncadd.s32 $0xFFFFEC00  }
0x2b: {  	[tilespmem:s10], [sflag:$0x1] =	stream.linear.gather [hbm4b:s15+s3], $0x1400, $0x38;
	[tilespmem:$0x14DC0] =	vst v63  }
0x2c: {  	_ =	swait.ge [sflag:s6], $0x1400  }
0x2d: {  	[sflag:s6] =	ssyncset.done $0x0  }
0x2e: {  	s16 =	simm.s32 $0x78;
	[sflag:s6] =	ssyncadd.s32 $0xFFFFEC00  }
0x2f: {  	[spmem:s2] =	stream.indirect.scatter.add.f32 [tilespmem:s10], [sflag:$0x1], $0x80, s16, s11, $0xb8;
	[tilespmem:$0x14DC0] =	vst v63  }
0x30: {  	_ =	swait.ge [sflag:s6], $0x1400  }
0x31: {  	[sflag:s6] =	ssyncset.done $0x0  }
0x32: {  	s17 =	sadd.s32 $0xF1FC00, s23;
	[sflag:s6] =	ssyncadd.s32 $0xFFFFEC00  }
0x33: {  	[tilespmem:s10], [sflag:$0x1] =	stream.linear.gather [hbm4b:s17+s3], $0x1400, $0x38;
	[tilespmem:$0x14DC0] =	vst v63  }
0x34: {  	_ =	swait.ge [sflag:s6], $0x1400  }
0x35: {  	[sflag:s6] =	ssyncset.done $0x0  }
0x36: {  	s18 =	simm.s32 $0xA0;
	[sflag:s6] =	ssyncadd.s32 $0xFFFFEC00  }
0x37: {  	[spmem:s2] =	stream.indirect.scatter.add.f32 [tilespmem:s10], [sflag:$0x1], $0x80, s18, s11, $0xb8;
	[tilespmem:$0x14DC0] =	vst v63  }
0x38: {  	_ =	swait.ge [sflag:s6], $0x1400  }
0x39: {  	[sflag:s6] =	ssyncset.done $0x0  }
0x3a: {  	s19 =	sadd.s32 $0xF1FE80, s23;
	[sflag:s6] =	ssyncadd.s32 $0xFFFFEC00  }
0x3b: {  	[tilespmem:s10], [sflag:$0x1] =	stream.linear.gather [hbm4b:s19+s3], $0x1400, $0x38;
	[tilespmem:$0x14DC0] =	vst v63  }
0x3c: {  	_ =	swait.ge [sflag:s6], $0x1400  }
0x3d: {  	[sflag:s6] =	ssyncset.done $0x0  }
0x3e: {  	s20 =	simm.s32 $0xC8;
	[sflag:s6] =	ssyncadd.s32 $0xFFFFEC00  }
0x3f: {  	[spmem:s2] =	stream.indirect.scatter.add.f32 [tilespmem:s10], [sflag:$0x1], $0x80, s20, s11, $0xb8;
	[tilespmem:$0x14DC0] =	vst v63  }
0x40: {  	_ =	swait.ge [sflag:s6], $0x1400  }
0x41: {  	[sflag:s6] =	ssyncset.done $0x0  }
0x42: {  	s21 =	sadd.s32 $0xF20100, s23;
	[sflag:s6] =	ssyncadd.s32 $0xFFFFEC00  }
0x43: {  	[tilespmem:s10], [sflag:$0x1] =	stream.linear.gather [hbm4b:s21+s3], $0x1400, $0x38;
	[tilespmem:$0x14DC0] =	vst v63  }
0x44: {  	_ =	swait.ge [sflag:s6], $0x1400  }
0x45: {  	[sflag:s6] =	ssyncset.done $0x0  }
0x46: {  	s22 =	simm.s32 $0xF0;
	[sflag:s6] =	ssyncadd.s32 $0xFFFFEC00  }
0x47: {  	[spmem:s2] =	stream.indirect.scatter.add.f32 [tilespmem:s10], [sflag:$0x1], $0x80, s22, s11, $0xb8;
	[tilespmem:$0x14DC0] =	vst v63  }
0x48: {  	_ =	swait.ge [sflag:s6], $0x1400  }
0x49: {  	s29 =	smul.u32 $0x138800, s28;
	[sflag:s6] =	ssyncset.done $0x0  }
0x4a: {  	s23 =	sadd.s32 $0xF20380, s23;
	[sflag:s6] =	ssyncadd.s32 $0xFFFFEC00  }
0x4b: {  	[tilespmem:s10], [sflag:$0x1] =	stream.linear.gather [hbm4b:s23+s3], $0x1400, $0x38;
	[tilespmem:$0x14DC0] =	vst v63  }
0x4c: {  	s28 =	ssub.s32 $0x2, s28;
	s24 =	simm.s32 $0x118;
	_ =	swait.ge [sflag:s6], $0x1400  }
0x4d: {  	s30 =	sshrl.u32 s28, $0x1;
	s26 =	sadd.s32 s26, s29;
	[sflag:s6] =	ssyncset.done $0x0  }
0x4e: {  	s31 =	ssub.s32 s28, s30;
	s26 =	sshrl.u32 s26, $0x3;
	[sflag:s6] =	ssyncadd.s32 $0xFFFFEC00  }
0x4f: {  	[spmem:s2] =	stream.indirect.scatter.add.f32 [tilespmem:s10], [sflag:$0x1], $0x80, s24, s11, $0xb8;
	[tilespmem:$0x14DC0] =	vst v63  }
0x50: {  	s25 =	sadd.s32 s26, s25;
	s26 =	smax.u32 s31, $0x1;
	_ =	swait.ge [sflag:s6], $0x1400  }
0x51: {  	p0 =	sne.s32 s26, $0x1;
	[sflag:s6] =	ssyncset.done $0x0  }
.Ltmp0:
0x52: {  	[sflag:s6] =	ssyncadd.s32 $0xFFFFEC00;
	(pc) =	sbr.rel @!p0 .LBB2_2-.Ltmp0, $4  }
0x53: {  	s25 =	sadd.s32 $0x4F8000, s25;
	[bflag:$0x0] =	sbarrier.arrive $0xFFFF  }
0x54: {  	[hbm:s25], [sflag:s5] =	dma.local [spmem:s7], $0x2710  }
0x55: {  	_ =	swait.ge [sflag:s6], $0x2710  }
0x56: {  	s26 =	sadd.s32 $0xFFFFFFFF, s26;
	[sflag:s6] =	ssyncset.done $0x0  }
.LBB2_1:
0x57: {  	p0 =	sne.s32 s26, $0x1;
	s26 =	sadd.s32 $0xFFFFFFFF, s26;
	[sflag:s6] =	ssyncadd.s32 $0xFFFFD8F0  }
0x58: {  	[spmem:s7], [sflag:s5] =	dma.local [hbm:s4], $0x2710  }
0x59: {  	_ =	swait.ge [sflag:s6], $0x2710  }
0x5a: {  	[sflag:s6] =	ssyncset.done $0x0  }
0x5b: {  	[sflag:s6] =	ssyncadd.s32 $0xFFFFD8F0  }
0x5c: {  	[bflag:$0x0] =	sbarrier.arrive $0xFFFF  }
0x5d: {  	[tilespmem:s3], [sflag:$0x1] =	stream.linear.gather [hbm4b:s8+s3], $0x140, $0x38;
	[tilespmem:$0x14DC0] =	vst v63  }
0x5e: {  	_ =	swait.ge [sflag:s6], $0x140  }
0x5f: {  	[sflag:s6] =	ssyncset.done $0x0  }
0x60: {  	[sflag:s6] =	ssyncadd.s32 $0xFFFFFEC0  }
0x61: {  	[tilespmem:s10], [sflag:$0x1] =	stream.linear.gather [hbm4b:s9+s3], $0x1400, $0x38;
	[tilespmem:$0x14DC0] =	vst v63  }
0x62: {  	_ =	swait.ge [sflag:s6], $0x1400  }
0x63: {  	[sflag:s6] =	ssyncset.done $0x0  }
0x64: {  	[sflag:s6] =	ssyncadd.s32 $0xFFFFEC00  }
0x65: {  	[spmem:s2] =	stream.indirect.scatter.add.f32 [tilespmem:s10], [sflag:$0x1], $0x80, s3, s11, $0xb8;
	[tilespmem:$0x14DC0] =	vst v63  }
0x66: {  	_ =	swait.ge [sflag:s6], $0x1400  }
0x67: {  	[sflag:s6] =	ssyncset.done $0x0  }
0x68: {  	[sflag:s6] =	ssyncadd.s32 $0xFFFFEC00  }
0x69: {  	[tilespmem:s10], [sflag:$0x1] =	stream.linear.gather [hbm4b:s12+s3], $0x1400, $0x38;
	[tilespmem:$0x14DC0] =	vst v63  }
0x6a: {  	_ =	swait.ge [sflag:s6], $0x1400  }
0x6b: {  	[sflag:s6] =	ssyncset.done $0x0  }
0x6c: {  	[sflag:s6] =	ssyncadd.s32 $0xFFFFEC00  }
0x6d: {  	[spmem:s2] =	stream.indirect.scatter.add.f32 [tilespmem:s10], [sflag:$0x1], $0x80, s11, s11, $0xb8;
	[tilespmem:$0x14DC0] =	vst v63  }
0x6e: {  	_ =	swait.ge [sflag:s6], $0x1400  }
0x6f: {  	[sflag:s6] =	ssyncset.done $0x0  }
0x70: {  	[sflag:s6] =	ssyncadd.s32 $0xFFFFEC00  }
0x71: {  	[tilespmem:s10], [sflag:$0x1] =	stream.linear.gather [hbm4b:s13+s3], $0x1400, $0x38;
	[tilespmem:$0x14DC0] =	vst v63  }
0x72: {  	_ =	swait.ge [sflag:s6], $0x1400  }
0x73: {  	[sflag:s6] =	ssyncset.done $0x0  }
0x74: {  	[sflag:s6] =	ssyncadd.s32 $0xFFFFEC00  }
0x75: {  	[spmem:s2] =	stream.indirect.scatter.add.f32 [tilespmem:s10], [sflag:$0x1], $0x80, s14, s11, $0xb8;
	[tilespmem:$0x14DC0] =	vst v63  }
0x76: {  	_ =	swait.ge [sflag:s6], $0x1400  }
0x77: {  	[sflag:s6] =	ssyncset.done $0x0  }
0x78: {  	[sflag:s6] =	ssyncadd.s32 $0xFFFFEC00  }
0x79: {  	[tilespmem:s10], [sflag:$0x1] =	stream.linear.gather [hbm4b:s15+s3], $0x1400, $0x38;
	[tilespmem:$0x14DC0] =	vst v63  }
0x7a: {  	_ =	swait.ge [sflag:s6], $0x1400  }
0x7b: {  	[sflag:s6] =	ssyncset.done $0x0  }
0x7c: {  	[sflag:s6] =	ssyncadd.s32 $0xFFFFEC00  }
0x7d: {  	[spmem:s2] =	stream.indirect.scatter.add.f32 [tilespmem:s10], [sflag:$0x1], $0x80, s16, s11, $0xb8;
	[tilespmem:$0x14DC0] =	vst v63  }
0x7e: {  	_ =	swait.ge [sflag:s6], $0x1400  }
0x7f: {  	[sflag:s6] =	ssyncset.done $0x0  }
0x80: {  	[sflag:s6] =	ssyncadd.s32 $0xFFFFEC00  }
0x81: {  	[tilespmem:s10], [sflag:$0x1] =	stream.linear.gather [hbm4b:s17+s3], $0x1400, $0x38;
	[tilespmem:$0x14DC0] =	vst v63  }
0x82: {  	_ =	swait.ge [sflag:s6], $0x1400  }
0x83: {  	[sflag:s6] =	ssyncset.done $0x0  }
0x84: {  	[sflag:s6] =	ssyncadd.s32 $0xFFFFEC00  }
0x85: {  	[spmem:s2] =	stream.indirect.scatter.add.f32 [tilespmem:s10], [sflag:$0x1], $0x80, s18, s11, $0xb8;
	[tilespmem:$0x14DC0] =	vst v63  }
0x86: {  	_ =	swait.ge [sflag:s6], $0x1400  }
0x87: {  	[sflag:s6] =	ssyncset.done $0x0  }
0x88: {  	[sflag:s6] =	ssyncadd.s32 $0xFFFFEC00  }
0x89: {  	[tilespmem:s10], [sflag:$0x1] =	stream.linear.gather [hbm4b:s19+s3], $0x1400, $0x38;
	[tilespmem:$0x14DC0] =	vst v63  }
0x8a: {  	_ =	swait.ge [sflag:s6], $0x1400  }
0x8b: {  	[sflag:s6] =	ssyncset.done $0x0  }
0x8c: {  	[sflag:s6] =	ssyncadd.s32 $0xFFFFEC00  }
0x8d: {  	[spmem:s2] =	stream.indirect.scatter.add.f32 [tilespmem:s10], [sflag:$0x1], $0x80, s20, s11, $0xb8;
	[tilespmem:$0x14DC0] =	vst v63  }
0x8e: {  	_ =	swait.ge [sflag:s6], $0x1400  }
0x8f: {  	[sflag:s6] =	ssyncset.done $0x0  }
0x90: {  	[sflag:s6] =	ssyncadd.s32 $0xFFFFEC00  }
0x91: {  	[tilespmem:s10], [sflag:$0x1] =	stream.linear.gather [hbm4b:s21+s3], $0x1400, $0x38;
	[tilespmem:$0x14DC0] =	vst v63  }
0x92: {  	_ =	swait.ge [sflag:s6], $0x1400  }
0x93: {  	[sflag:s6] =	ssyncset.done $0x0  }
0x94: {  	[sflag:s6] =	ssyncadd.s32 $0xFFFFEC00  }
0x95: {  	[spmem:s2] =	stream.indirect.scatter.add.f32 [tilespmem:s10], [sflag:$0x1], $0x80, s22, s11, $0xb8;
	[tilespmem:$0x14DC0] =	vst v63  }
0x96: {  	_ =	swait.ge [sflag:s6], $0x1400  }
0x97: {  	[sflag:s6] =	ssyncset.done $0x0  }
0x98: {  	[sflag:s6] =	ssyncadd.s32 $0xFFFFEC00  }
0x99: {  	[tilespmem:s10], [sflag:$0x1] =	stream.linear.gather [hbm4b:s23+s3], $0x1400, $0x38;
	[tilespmem:$0x14DC0] =	vst v63  }
0x9a: {  	_ =	swait.ge [sflag:s6], $0x1400  }
0x9b: {  	[sflag:s6] =	ssyncset.done $0x0  }
0x9c: {  	[sflag:s6] =	ssyncadd.s32 $0xFFFFEC00  }
0x9d: {  	[spmem:s2] =	stream.indirect.scatter.add.f32 [tilespmem:s10], [sflag:$0x1], $0x80, s24, s11, $0xb8;
	[tilespmem:$0x14DC0] =	vst v63  }
0x9e: {  	_ =	swait.ge [sflag:s6], $0x1400  }
0x9f: {  	[sflag:s6] =	ssyncset.done $0x0  }
.Ltmp1:
0xa0: {  	[sflag:s6] =	ssyncadd.s32 $0xFFFFEC00;
	(pc) =	sbr.rel @p0 .LBB2_1-.Ltmp1, $4  }
0xa1: {  	[bflag:$0x0] =	sbarrier.arrive $0xFFFF  }
0xa2: {  	[hbm:s25], [sflag:s5] =	dma.local [spmem:s7], $0x2710  }
0xa3: {  	_ =	swait.ge [sflag:s6], $0x2710  }
0xa4: {  	[sflag:s6] =	ssyncset.done $0x0  }
.LBB2_2:
0xa5: {  	[sflag:s6] =	ssyncadd.s32 $0xFFFFD8F0  }
0xa6: {  	_ =	sfence.sel $0x180000  }
0xa7: {  	[bflag:$0x0] =	sbarrier.arrive $0xFFFF  }
0xa8: {  	p0 =	sne.s32 s1, $0x0;
	_ =	strace $0x9000004D  }
0xa9: {  	s0 =	sadd.s32 @!p0 $0x100000, s0;
	[bflag:$0x2] =	sbarrier.arrive $0xFFFF  }
0xaa: {  	[sflag:s0] =	ssyncadd.tile.s32 @!p0 $0x1;
	_ =	shalt  }
.Lfunc_end2:
_tile_overlayer_lowered:
.L_overlay_start_2:
0xab: {  	(tag) =	ssettag $0x2  }
0xac: {  	s0 =	rddreg [dreg:$0x0];
	s2 =	stileid.u32  }
0xad: {  	s1 =	rddreg [dreg:$0x1];
	p0 =	sne.s32 s2, $0x0  }
0xae: {  	s3 =	rddreg [dreg:$0x2];
	[bflag:$0x3] =	sbarrier.arrive $0xFFFF;
	s2 =	simm.s32 @!p0 $0x1C01  }
0xaf: {  	[timem:s3], [sflag:s2] =	dma.local @!p0 [hbm:s0], s1  }
0xb0: {  	s0 =	simm.s32 @!p0 $0x1  }
0xb1: {  	_ =	swait.ge @!p0 [sflag:s0], s1  }
0xb2: {  	s1 =	ssub.s32 @!p0 $0x0, s1;
	[sflag:s0] =	ssyncset.done @!p0 $0x0  }
0xb3: {  	[sflag:s0] =	ssyncadd.s32 @!p0 s1  }
0xb4: {  	[bflag:$0x3] =	sbarrier.arrive $0xFFFF  }
0xb5: {  	_ =	shalt  }

</sc_bundles>
